<compile_context>
chip_gen: v7x
topology: tpu7x:2x2x1
jax: 0.10.2.dev20260603
libtpu: 0.0.44.dev20260713+nightly
codegen_flags: <defaults>
</compile_context>

<pallas_src>
import functools

import jax
import jax.numpy as jnp
from jax import lax
from jax.experimental import pallas as pl
from jax.experimental.pallas import tpu as pltpu
from jax.experimental.pallas import tpu_sc as plsc

_EMBED_DIM = 32
_PAD_DIM = 128
_ROWS_PER_UNIT = 8


@functools.lru_cache(maxsize=None)
def _build_gather(batch, hist):
    info = plsc.get_sparse_core_info()
    nc, ns = info.num_cores, info.num_subcores
    nw = nc * ns
    ipu = _ROWS_PER_UNIT * hist
    assert batch % (nw * _ROWS_PER_UNIT) == 0
    rows_per_w = batch // nw
    n_units = rows_per_w // _ROWS_PER_UNIT
    chunks = []
    off = 0
    while off < ipu:
        sz = min(128, ipu - off)
        chunks.append((off, sz))
        off += sz

    mesh = plsc.VectorSubcoreMesh(core_axis_name="c", subcore_axis_name="s")

    @functools.partial(
        pl.kernel,
        mesh=mesh,
        out_type=jax.ShapeDtypeStruct((batch, hist, _PAD_DIM), jnp.float32),
        compiler_params=pltpu.CompilerParams(use_tc_tiling_on_sc=False),
        scratch_types=[
            pltpu.VMEM((2, ipu), jnp.int32),
            pltpu.VMEM((2, ipu, _EMBED_DIM), jnp.float32),
            pltpu.SemaphoreType.DMA,
            pltpu.SemaphoreType.DMA,
            pltpu.SemaphoreType.DMA,
            pltpu.SemaphoreType.DMA,
            pltpu.SemaphoreType.DMA,
            pltpu.SemaphoreType.DMA,
        ],
    )
    def embed(idx_hbm, table_hbm, out_hbm, idx_v, rows_v,
              g0, g1, w0, w1, i0, i1):
        wid = lax.axis_index("s") * nc + lax.axis_index("c")
        idx_base = wid * rows_per_w * hist
        b_base = wid * rows_per_w

        def rows_bytes_wait(sem):
            pltpu.make_async_copy(
                table_hbm.at[pl.ds(0, ipu)], rows_v.at[0], sem
            ).wait()

        def idx_bytes_wait(sem):
            pltpu.make_async_copy(
                idx_hbm.at[pl.ds(0, ipu)], idx_v.at[0], sem
            ).wait()

        def fire_idx(u, buf, sem):
            pltpu.async_copy(
                idx_hbm.at[pl.ds(idx_base + u * ipu, ipu)],
                idx_v.at[buf],
                sem,
            )

        def fire_gathers(buf, sem):
            for off, sz in chunks:
                pltpu.async_copy(
                    table_hbm.at[idx_v.at[buf].at[pl.ds(off, sz)]],
                    rows_v.at[buf].at[pl.ds(off, sz)],
                    sem,
                )

        def fire_writes(u, buf, sem):
            for k in range(_ROWS_PER_UNIT):
                b = b_base + u * _ROWS_PER_UNIT + k
                pltpu.async_copy(
                    rows_v.at[buf].at[pl.ds(k * hist, hist)],
                    out_hbm.at[b].at[:, pl.ds(0, _EMBED_DIM)],
                    sem,
                )

        fire_idx(0, 0, i0)
        fire_idx(1, 1, i1)

        def body(u, carry):
            buf = lax.rem(u, 2)

            @pl.when(jnp.logical_and(u < n_units, u >= 2))
            def _():
                lax.switch(buf, [lambda: rows_bytes_wait(w0),
                                 lambda: rows_bytes_wait(w1)])

            @pl.when(u < n_units)
            def _():
                lax.switch(buf, [lambda: idx_bytes_wait(i0),
                                 lambda: idx_bytes_wait(i1)])
                lax.switch(buf, [lambda: fire_gathers(0, g0),
                                 lambda: fire_gathers(1, g1)])

            @pl.when(u >= 1)
            def _():
                pbuf = lax.rem(u - 1, 2)
                lax.switch(pbuf, [lambda: rows_bytes_wait(g0),
                                  lambda: rows_bytes_wait(g1)])
                @pl.when(u + 1 < n_units)
                def _():
                    lax.switch(pbuf, [lambda: fire_idx(u + 1, 0, i0),
                                      lambda: fire_idx(u + 1, 1, i1)])

                lax.switch(pbuf, [lambda: fire_writes(u - 1, 0, w0),
                                  lambda: fire_writes(u - 1, 1, w1)])

            return carry

        lax.fori_loop(0, n_units + 1, body, 0)
        rows_bytes_wait(w0)
        rows_bytes_wait(w1)

    return embed


def kernel(x, w):
    batch, hist = x.shape
    idx = x.reshape(-1).astype(jnp.int32)
    out3 = _build_gather(batch, hist)(idx, w)
    return out3[:, :, :_EMBED_DIM]

# --- scband reference (transcript-rebuilt; emitter-appended) ---
"""Pipeline reference for scband-embed-32804960207354 (READ-ONLY COPY).

The authoritative reference and input builder live on the scoring server;
editing this copy changes nothing except your own understanding.
"""

import jax, jax.numpy as jnp
import numpy as np

EMBED_NUM = 1000000
EMBED_DIM = 32
STD = 0.02
BATCH = 16384
HIST = 200


def setup_inputs(seed: int = 0) -> dict:
    key = jax.random.key(seed)
    k_idx, k_w = jax.random.split(key)
    x = jax.random.randint(k_idx, (BATCH, HIST), 0, EMBED_NUM)
    # truncated normal init with std, truncated at +/- 2 std (matches torch trunc_normal default)
    w = jax.random.truncated_normal(k_w, -2.0, 2.0, (EMBED_NUM, EMBED_DIM), dtype=jnp.float32) * STD
    return {"x": x, "w": w}


def reference(x, w):
    # torch.nn.functional.embedding(x, w) -> gather rows of w by x
    # (the original's w.to(x.dtype) cast is a no-op in practice for fp training paths;
    #  lookup is performed with the float table to keep the math meaningful)
    return jnp.take(w, x, axis=0)

if __name__ == "__main__":
    import jax
    _d = setup_inputs()
    print(jax.jit(kernel)(*tuple(_d.values())))

</pallas_src>

<mosaic_0001>
#map = affine_map<(d0, d1) -> (0)>
#map1 = affine_map<(d0, d1) -> (0, 0)>
#map2 = affine_map<(d0, d1) -> (0, 0, 0)>
module attributes {stable_mosaic.version = 14 : i64} {
  func.func @embed(%arg0: i32, %arg1: i32, %arg2: memref<3276800xi32, #tpu.memory_space<hbm>>, %arg3: memref<1000000x32xf32, #tpu.memory_space<hbm>>, %arg4: memref<16384x200x128xf32, #tpu.memory_space<hbm>>, %arg5: memref<2x1600xi32, #tpu.memory_space<vmem>>, %arg6: memref<2x1600x32xf32, #tpu.memory_space<vmem>>, %arg7: memref<!tpu.dma_semaphore, #tpu.memory_space<semaphore_mem>>, %arg8: memref<!tpu.dma_semaphore, #tpu.memory_space<semaphore_mem>>, %arg9: memref<!tpu.dma_semaphore, #tpu.memory_space<semaphore_mem>>, %arg10: memref<!tpu.dma_semaphore, #tpu.memory_space<semaphore_mem>>, %arg11: memref<!tpu.dma_semaphore, #tpu.memory_space<semaphore_mem>>, %arg12: memref<!tpu.dma_semaphore, #tpu.memory_space<semaphore_mem>>) attributes {dimension_semantics = [#tpu.dimension_semantics<core_parallel>, #tpu.dimension_semantics<subcore_parallel>], iteration_bounds = array<i64: 2, 16>, scalar_prefetch = 0 : i64, scratch_operands = 8 : i64, tpu.core_type = #tpu.core_type<sc_vector_subcore>, window_params = [{transform_indices = #map}, {transform_indices = #map1}, {transform_indices = #map2}]} {
    %mul3A = arith.constant 2 : i32
    %mul3A_0 = arith.muli %arg1, %mul3A : i32
    %add3A = arith.addi %mul3A_0, %arg0 : i32
    %mul3A_1 = arith.constant 512 : i32
    %mul3A_2 = arith.muli %add3A, %mul3A_1 : i32
    %mul3A_3 = arith.constant 200 : i32
    %mul3A_4 = arith.muli %mul3A_2, %mul3A_3 : i32
    %mul3A_5 = arith.constant 512 : i32
    %mul3A_6 = arith.muli %add3A, %mul3A_5 : i32
    %add3A_7 = arith.constant 0 : i32
    %add3A_8 = arith.addi %mul3A_4, %add3A_7 : i32
    %dma_start3A = arith.constant 0 : i32
    %dma_start3A_9 = arith.constant 0 : i32
    %dma_start3A_10 = tpu.memref_slice %arg5[%dma_start3A, %dma_start3A_9] : memref<2x1600xi32, #tpu.memory_space<vmem>> -> memref<1x1600xi32, #tpu.memory_space<vmem>>
    %dma_start3A_11 = tpu.memref_squeeze %dma_start3A_10 : memref<1x1600xi32, #tpu.memory_space<vmem>> -> memref<1600xi32, #tpu.memory_space<vmem>>
    %dma_start3A_12 = tpu.memref_slice %arg2[%add3A_8] : memref<3276800xi32, #tpu.memory_space<hbm>> -> memref<1600xi32, #tpu.memory_space<hbm>>
    %dma_start3A_13 = arith.constant 0 : i32
    %dma_start3A_14 = tpu.memref_slice %arg5[%dma_start3A, %dma_start3A_13] : memref<2x1600xi32, #tpu.memory_space<vmem>> -> memref<1x1600xi32, #tpu.memory_space<vmem>>
    %dma_start3A_15 = tpu.memref_squeeze %dma_start3A_14 : memref<1x1600xi32, #tpu.memory_space<vmem>> -> memref<1600xi32, #tpu.memory_space<vmem>>
    %dma_start3A_16 = tpu.memref_slice %arg2[%add3A_8] : memref<3276800xi32, #tpu.memory_space<hbm>> -> memref<1600xi32, #tpu.memory_space<hbm>>
    tpu.enqueue_dma source(%dma_start3A_16 : memref<1600xi32, #tpu.memory_space<hbm>>) target(%dma_start3A_15 : memref<1600xi32, #tpu.memory_space<vmem>>) target_semaphore(%arg11 : memref<!tpu.dma_semaphore, #tpu.memory_space<semaphore_mem>>)
    %add3A_17 = arith.constant 1600 : i32
    %add3A_18 = arith.addi %mul3A_4, %add3A_17 : i32
    %dma_start3A_19 = arith.constant 1 : i32
    %dma_start3A_20 = arith.constant 0 : i32
    %dma_start3A_21 = tpu.memref_slice %arg5[%dma_start3A_19, %dma_start3A_20] : memref<2x1600xi32, #tpu.memory_space<vmem>> -> memref<1x1600xi32, #tpu.memory_space<vmem>>
    %dma_start3A_22 = tpu.memref_squeeze %dma_start3A_21 : memref<1x1600xi32, #tpu.memory_space<vmem>> -> memref<1600xi32, #tpu.memory_space<vmem>>
    %dma_start3A_23 = tpu.memref_slice %arg2[%add3A_18] : memref<3276800xi32, #tpu.memory_space<hbm>> -> memref<1600xi32, #tpu.memory_space<hbm>>
    %dma_start3A_24 = arith.constant 0 : i32
    %dma_start3A_25 = tpu.memref_slice %arg5[%dma_start3A_19, %dma_start3A_24] : memref<2x1600xi32, #tpu.memory_space<vmem>> -> memref<1x1600xi32, #tpu.memory_space<vmem>>
    %dma_start3A_26 = tpu.memref_squeeze %dma_start3A_25 : memref<1x1600xi32, #tpu.memory_space<vmem>> -> memref<1600xi32, #tpu.memory_space<vmem>>
    %dma_start3A_27 = tpu.memref_slice %arg2[%add3A_18] : memref<3276800xi32, #tpu.memory_space<hbm>> -> memref<1600xi32, #tpu.memory_space<hbm>>
    tpu.enqueue_dma source(%dma_start3A_27 : memref<1600xi32, #tpu.memory_space<hbm>>) target(%dma_start3A_26 : memref<1600xi32, #tpu.memory_space<vmem>>) target_semaphore(%arg12 : memref<!tpu.dma_semaphore, #tpu.memory_space<semaphore_mem>>)
    %scan3A = arith.constant 0 : i32
    %scan3A_28 = arith.constant 0 : i32
    %scan3A_29 = arith.constant 65 : i32
    %scan3A_30 = arith.addi %scan3A_28, %scan3A_29 : i32
    %scan3A_31 = arith.constant 1 : i32
    scf.for %scan3A_62 = %scan3A_28 to %scan3A_30 step %scan3A_31  : i32 {
      %rem3A = arith.constant 2 : i32
      %rem3A_63 = arith.remsi %scan3A_62, %rem3A : i32
      %lt3A = arith.constant 64 : i32
      %lt3A_64 = arith.cmpi slt, %scan3A_62, %lt3A : i32
      %ge3A = arith.constant 2 : i32
      %ge3A_65 = arith.cmpi sge, %scan3A_62, %ge3A : i32
      %and3A = arith.andi %lt3A_64, %ge3A_65 : i1
      %convert_element_type3A = arith.extui %and3A : i1 to i32
      %cond3A = arith.constant 0 : i32
      %cond3A_66 = arith.cmpi ne, %convert_element_type3A, %cond3A : i32
      scf.if %cond3A_66 {
        %clamp3A = arith.constant 0 : i32
        %clamp3A_77 = arith.constant 1 : i32
        %clamp3A_78 = arith.maxsi %rem3A_63, %clamp3A : i32
        %clamp3A_79 = arith.minsi %clamp3A_78, %clamp3A_77 : i32
        %cond3A_80 = arith.constant 0 : i32
        %cond3A_81 = arith.cmpi ne, %clamp3A_79, %cond3A_80 : i32
        scf.if %cond3A_81 {
          %dma_wait3A_82 = arith.constant 0 : i32
          %dma_wait3A_83 = arith.constant 0 : i32
          %dma_wait3A_84 = arith.constant 0 : i32
          %dma_wait3A_85 = tpu.memref_slice %arg6[%dma_wait3A_82, %dma_wait3A_83, %dma_wait3A_84] : memref<2x1600x32xf32, #tpu.memory_space<vmem>> -> memref<1x1600x32xf32, #tpu.memory_space<vmem>>
          %dma_wait3A_86 = tpu.memref_squeeze %dma_wait3A_85 : memref<1x1600x32xf32, #tpu.memory_space<vmem>> -> memref<1600x32xf32, #tpu.memory_space<vmem>>
          %dma_wait3A_87 = arith.constant 0 : i32
          %dma_wait3A_88 = arith.constant 0 : i32
          %dma_wait3A_89 = tpu.memref_slice %arg3[%dma_wait3A_87, %dma_wait3A_88] : memref<1000000x32xf32, #tpu.memory_space<hbm>> -> memref<1600x32xf32, #tpu.memory_space<hbm>>
          %dma_wait3A_90 = arith.constant 0 : i32
          %dma_wait3A_91 = arith.constant 0 : i32
          %dma_wait3A_92 = tpu.memref_slice %arg6[%dma_wait3A_82, %dma_wait3A_90, %dma_wait3A_91] : memref<2x1600x32xf32, #tpu.memory_space<vmem>> -> memref<1x1600x32xf32, #tpu.memory_space<vmem>>
          %dma_wait3A_93 = tpu.memref_squeeze %dma_wait3A_92 : memref<1x1600x32xf32, #tpu.memory_space<vmem>> -> memref<1600x32xf32, #tpu.memory_space<vmem>>
          %dma_wait3A_94 = arith.constant 0 : i32
          %dma_wait3A_95 = arith.constant 0 : i32
          %dma_wait3A_96 = tpu.memref_slice %arg3[%dma_wait3A_94, %dma_wait3A_95] : memref<1000000x32xf32, #tpu.memory_space<hbm>> -> memref<1600x32xf32, #tpu.memory_space<hbm>>
          tpu.wait_dma2 semaphore(%arg10 : memref<!tpu.dma_semaphore, #tpu.memory_space<semaphore_mem>>) src(%dma_wait3A_96 : memref<1600x32xf32, #tpu.memory_space<hbm>>) dst(%dma_wait3A_93 : memref<1600x32xf32, #tpu.memory_space<vmem>>)
        } else {
          %dma_wait3A_82 = arith.constant 0 : i32
          %dma_wait3A_83 = arith.constant 0 : i32
          %dma_wait3A_84 = arith.constant 0 : i32
          %dma_wait3A_85 = tpu.memref_slice %arg6[%dma_wait3A_82, %dma_wait3A_83, %dma_wait3A_84] : memref<2x1600x32xf32, #tpu.memory_space<vmem>> -> memref<1x1600x32xf32, #tpu.memory_space<vmem>>
          %dma_wait3A_86 = tpu.memref_squeeze %dma_wait3A_85 : memref<1x1600x32xf32, #tpu.memory_space<vmem>> -> memref<1600x32xf32, #tpu.memory_space<vmem>>
          %dma_wait3A_87 = arith.constant 0 : i32
          %dma_wait3A_88 = arith.constant 0 : i32
          %dma_wait3A_89 = tpu.memref_slice %arg3[%dma_wait3A_87, %dma_wait3A_88] : memref<1000000x32xf32, #tpu.memory_space<hbm>> -> memref<1600x32xf32, #tpu.memory_space<hbm>>
          %dma_wait3A_90 = arith.constant 0 : i32
          %dma_wait3A_91 = arith.constant 0 : i32
          %dma_wait3A_92 = tpu.memref_slice %arg6[%dma_wait3A_82, %dma_wait3A_90, %dma_wait3A_91] : memref<2x1600x32xf32, #tpu.memory_space<vmem>> -> memref<1x1600x32xf32, #tpu.memory_space<vmem>>
          %dma_wait3A_93 = tpu.memref_squeeze %dma_wait3A_92 : memref<1x1600x32xf32, #tpu.memory_space<vmem>> -> memref<1600x32xf32, #tpu.memory_space<vmem>>
          %dma_wait3A_94 = arith.constant 0 : i32
          %dma_wait3A_95 = arith.constant 0 : i32
          %dma_wait3A_96 = tpu.memref_slice %arg3[%dma_wait3A_94, %dma_wait3A_95] : memref<1000000x32xf32, #tpu.memory_space<hbm>> -> memref<1600x32xf32, #tpu.memory_space<hbm>>
          tpu.wait_dma2 semaphore(%arg9 : memref<!tpu.dma_semaphore, #tpu.memory_space<semaphore_mem>>) src(%dma_wait3A_96 : memref<1600x32xf32, #tpu.memory_space<hbm>>) dst(%dma_wait3A_93 : memref<1600x32xf32, #tpu.memory_space<vmem>>)
        }
      } else {
      }
      %lt3A_67 = arith.constant 64 : i32
      %lt3A_68 = arith.cmpi slt, %scan3A_62, %lt3A_67 : i32
      %convert_element_type3A_69 = arith.extui %lt3A_68 : i1 to i32
      %cond3A_70 = arith.constant 0 : i32
      %cond3A_71 = arith.cmpi ne, %convert_element_type3A_69, %cond3A_70 : i32
      scf.if %cond3A_71 {
        %clamp3A = arith.constant 0 : i32
        %clamp3A_77 = arith.constant 1 : i32
        %clamp3A_78 = arith.maxsi %rem3A_63, %clamp3A : i32
        %clamp3A_79 = arith.minsi %clamp3A_78, %clamp3A_77 : i32
        %cond3A_80 = arith.constant 0 : i32
        %cond3A_81 = arith.cmpi ne, %clamp3A_79, %cond3A_80 : i32
        scf.if %cond3A_81 {
          %dma_wait3A_88 = arith.constant 0 : i32
          %dma_wait3A_89 = arith.constant 0 : i32
          %dma_wait3A_90 = tpu.memref_slice %arg5[%dma_wait3A_88, %dma_wait3A_89] : memref<2x1600xi32, #tpu.memory_space<vmem>> -> memref<1x1600xi32, #tpu.memory_space<vmem>>
          %dma_wait3A_91 = tpu.memref_squeeze %dma_wait3A_90 : memref<1x1600xi32, #tpu.memory_space<vmem>> -> memref<1600xi32, #tpu.memory_space<vmem>>
          %dma_wait3A_92 = arith.constant 0 : i32
          %dma_wait3A_93 = tpu.memref_slice %arg2[%dma_wait3A_92] : memref<3276800xi32, #tpu.memory_space<hbm>> -> memref<1600xi32, #tpu.memory_space<hbm>>
          %dma_wait3A_94 = arith.constant 0 : i32
          %dma_wait3A_95 = tpu.memref_slice %arg5[%dma_wait3A_88, %dma_wait3A_94] : memref<2x1600xi32, #tpu.memory_space<vmem>> -> memref<1x1600xi32, #tpu.memory_space<vmem>>
          %dma_wait3A_96 = tpu.memref_squeeze %dma_wait3A_95 : memref<1x1600xi32, #tpu.memory_space<vmem>> -> memref<1600xi32, #tpu.memory_space<vmem>>
          %dma_wait3A_97 = arith.constant 0 : i32
          %dma_wait3A_98 = tpu.memref_slice %arg2[%dma_wait3A_97] : memref<3276800xi32, #tpu.memory_space<hbm>> -> memref<1600xi32, #tpu.memory_space<hbm>>
          tpu.wait_dma2 semaphore(%arg12 : memref<!tpu.dma_semaphore, #tpu.memory_space<semaphore_mem>>) src(%dma_wait3A_98 : memref<1600xi32, #tpu.memory_space<hbm>>) dst(%dma_wait3A_96 : memref<1600xi32, #tpu.memory_space<vmem>>)
        } else {
          %dma_wait3A_88 = arith.constant 0 : i32
          %dma_wait3A_89 = arith.constant 0 : i32
          %dma_wait3A_90 = tpu.memref_slice %arg5[%dma_wait3A_88, %dma_wait3A_89] : memref<2x1600xi32, #tpu.memory_space<vmem>> -> memref<1x1600xi32, #tpu.memory_space<vmem>>
          %dma_wait3A_91 = tpu.memref_squeeze %dma_wait3A_90 : memref<1x1600xi32, #tpu.memory_space<vmem>> -> memref<1600xi32, #tpu.memory_space<vmem>>
          %dma_wait3A_92 = arith.constant 0 : i32
          %dma_wait3A_93 = tpu.memref_slice %arg2[%dma_wait3A_92] : memref<3276800xi32, #tpu.memory_space<hbm>> -> memref<1600xi32, #tpu.memory_space<hbm>>
          %dma_wait3A_94 = arith.constant 0 : i32
          %dma_wait3A_95 = tpu.memref_slice %arg5[%dma_wait3A_88, %dma_wait3A_94] : memref<2x1600xi32, #tpu.memory_space<vmem>> -> memref<1x1600xi32, #tpu.memory_space<vmem>>
          %dma_wait3A_96 = tpu.memref_squeeze %dma_wait3A_95 : memref<1x1600xi32, #tpu.memory_space<vmem>> -> memref<1600xi32, #tpu.memory_space<vmem>>
          %dma_wait3A_97 = arith.constant 0 : i32
          %dma_wait3A_98 = tpu.memref_slice %arg2[%dma_wait3A_97] : memref<3276800xi32, #tpu.memory_space<hbm>> -> memref<1600xi32, #tpu.memory_space<hbm>>
          tpu.wait_dma2 semaphore(%arg11 : memref<!tpu.dma_semaphore, #tpu.memory_space<semaphore_mem>>) src(%dma_wait3A_98 : memref<1600xi32, #tpu.memory_space<hbm>>) dst(%dma_wait3A_96 : memref<1600xi32, #tpu.memory_space<vmem>>)
        }
        %clamp3A_82 = arith.constant 0 : i32
        %clamp3A_83 = arith.constant 1 : i32
        %clamp3A_84 = arith.maxsi %rem3A_63, %clamp3A_82 : i32
        %clamp3A_85 = arith.minsi %clamp3A_84, %clamp3A_83 : i32
        %cond3A_86 = arith.constant 0 : i32
        %cond3A_87 = arith.cmpi ne, %clamp3A_85, %cond3A_86 : i32
        scf.if %cond3A_87 {
          %dma_start3A_88 = arith.constant 1 : i32
          %dma_start3A_89 = arith.constant 1 : i32
          %dma_start3A_90 = arith.constant 0 : i32
          %dma_start3A_91 = arith.constant 0 : i32
          %dma_start3A_92 = tpu.memref_slice %arg6[%dma_start3A_89, %dma_start3A_90, %dma_start3A_91] : memref<2x1600x32xf32, #tpu.memory_space<vmem>> -> memref<1x1600x32xf32, #tpu.memory_space<vmem>>
          %dma_start3A_93 = tpu.memref_squeeze %dma_start3A_92 : memref<1x1600x32xf32, #tpu.memory_space<vmem>> -> memref<1600x32xf32, #tpu.memory_space<vmem>>
          %dma_start3A_94 = arith.constant 0 : i32
          %dma_start3A_95 = arith.constant 0 : i32
          %dma_start3A_96 = tpu.memref_slice %dma_start3A_93[%dma_start3A_94, %dma_start3A_95] : memref<1600x32xf32, #tpu.memory_space<vmem>> -> memref<128x32xf32, #tpu.memory_space<vmem>>
          %dma_start3A_97 = arith.constant 0 : i32
          %dma_start3A_98 = tpu.memref_slice %arg5[%dma_start3A_88, %dma_start3A_97] : memref<2x1600xi32, #tpu.memory_space<vmem>> -> memref<1x1600xi32, #tpu.memory_space<vmem>>
          %dma_start3A_99 = tpu.memref_squeeze %dma_start3A_98 : memref<1x1600xi32, #tpu.memory_space<vmem>> -> memref<1600xi32, #tpu.memory_space<vmem>>
          %dma_start3A_100 = arith.constant 0 : i32
          %dma_start3A_101 = tpu.memref_slice %dma_start3A_99[%dma_start3A_100] : memref<1600xi32, #tpu.memory_space<vmem>> -> memref<128xi32, #tpu.memory_space<vmem>>
          %dma_start3A_102 = arith.constant 0 : i32
          %dma_start3A_103 = arith.constant 0 : i32
          %dma_start3A_104 = tpu.memref_slice %arg3[%dma_start3A_102, %dma_start3A_103] : memref<1000000x32xf32, #tpu.memory_space<hbm>> -> memref<1000000x32xf32, #tpu.memory_space<hbm>>
          tpu.enqueue_indirect_dma source(%dma_start3A_104 : memref<1000000x32xf32, #tpu.memory_space<hbm>>) target(%dma_start3A_96 : memref<128x32xf32, #tpu.memory_space<vmem>>) offsets(%dma_start3A_101 : memref<128xi32, #tpu.memory_space<vmem>>) semaphore(%arg8 : memref<!tpu.dma_semaphore, #tpu.memory_space<semaphore_mem>>)
          %dma_start3A_105 = arith.constant 1 : i32
          %dma_start3A_106 = arith.constant 1 : i32
          %dma_start3A_107 = arith.constant 0 : i32
          %dma_start3A_108 = arith.constant 0 : i32
          %dma_start3A_109 = tpu.memref_slice %arg6[%dma_start3A_106, %dma_start3A_107, %dma_start3A_108] : memref<2x1600x32xf32, #tpu.memory_space<vmem>> -> memref<1x1600x32xf32, #tpu.memory_space<vmem>>
          %dma_start3A_110 = tpu.memref_squeeze %dma_start3A_109 : memref<1x1600x32xf32, #tpu.memory_space<vmem>> -> memref<1600x32xf32, #tpu.memory_space<vmem>>
          %dma_start3A_111 = arith.constant 128 : i32
          %dma_start3A_112 = arith.constant 0 : i32
          %dma_start3A_113 = tpu.memref_slice %dma_start3A_110[%dma_start3A_111, %dma_start3A_112] : memref<1600x32xf32, #tpu.memory_space<vmem>> -> memref<128x32xf32, #tpu.memory_space<vmem>>
          %dma_start3A_114 = arith.constant 0 : i32
          %dma_start3A_115 = tpu.memref_slice %arg5[%dma_start3A_105, %dma_start3A_114] : memref<2x1600xi32, #tpu.memory_space<vmem>> -> memref<1x1600xi32, #tpu.memory_space<vmem>>
          %dma_start3A_116 = tpu.memref_squeeze %dma_start3A_115 : memref<1x1600xi32, #tpu.memory_space<vmem>> -> memref<1600xi32, #tpu.memory_space<vmem>>
          %dma_start3A_117 = arith.constant 128 : i32
          %dma_start3A_118 = tpu.memref_slice %dma_start3A_116[%dma_start3A_117] : memref<1600xi32, #tpu.memory_space<vmem>> -> memref<128xi32, #tpu.memory_space<vmem>>
          %dma_start3A_119 = arith.constant 0 : i32
          %dma_start3A_120 = arith.constant 0 : i32
          %dma_start3A_121 = tpu.memref_slice %arg3[%dma_start3A_119, %dma_start3A_120] : memref<1000000x32xf32, #tpu.memory_space<hbm>> -> memref<1000000x32xf32, #tpu.memory_space<hbm>>
          tpu.enqueue_indirect_dma source(%dma_start3A_121 : memref<1000000x32xf32, #tpu.memory_space<hbm>>) target(%dma_start3A_113 : memref<128x32xf32, #tpu.memory_space<vmem>>) offsets(%dma_start3A_118 : memref<128xi32, #tpu.memory_space<vmem>>) semaphore(%arg8 : memref<!tpu.dma_semaphore, #tpu.memory_space<semaphore_mem>>)
          %dma_start3A_122 = arith.constant 1 : i32
          %dma_start3A_123 = arith.constant 1 : i32
          %dma_start3A_124 = arith.constant 0 : i32
          %dma_start3A_125 = arith.constant 0 : i32
          %dma_start3A_126 = tpu.memref_slice %arg6[%dma_start3A_123, %dma_start3A_124, %dma_start3A_125] : memref<2x1600x32xf32, #tpu.memory_space<vmem>> -> memref<1x1600x32xf32, #tpu.memory_space<vmem>>
          %dma_start3A_127 = tpu.memref_squeeze %dma_start3A_126 : memref<1x1600x32xf32, #tpu.memory_space<vmem>> -> memref<1600x32xf32, #tpu.memory_space<vmem>>
          %dma_start3A_128 = arith.constant 256 : i32
          %dma_start3A_129 = arith.constant 0 : i32
          %dma_start3A_130 = tpu.memref_slice %dma_start3A_127[%dma_start3A_128, %dma_start3A_129] : memref<1600x32xf32, #tpu.memory_space<vmem>> -> memref<128x32xf32, #tpu.memory_space<vmem>>
          %dma_start3A_131 = arith.constant 0 : i32
          %dma_start3A_132 = tpu.memref_slice %arg5[%dma_start3A_122, %dma_start3A_131] : memref<2x1600xi32, #tpu.memory_space<vmem>> -> memref<1x1600xi32, #tpu.memory_space<vmem>>
          %dma_start3A_133 = tpu.memref_squeeze %dma_start3A_132 : memref<1x1600xi32, #tpu.memory_space<vmem>> -> memref<1600xi32, #tpu.memory_space<vmem>>
          %dma_start3A_134 = arith.constant 256 : i32
          %dma_start3A_135 = tpu.memref_slice %dma_start3A_133[%dma_start3A_134] : memref<1600xi32, #tpu.memory_space<vmem>> -> memref<128xi32, #tpu.memory_space<vmem>>
          %dma_start3A_136 = arith.constant 0 : i32
          %dma_start3A_137 = arith.constant 0 : i32
          %dma_start3A_138 = tpu.memref_slice %arg3[%dma_start3A_136, %dma_start3A_137] : memref<1000000x32xf32, #tpu.memory_space<hbm>> -> memref<1000000x32xf32, #tpu.memory_space<hbm>>
          tpu.enqueue_indirect_dma source(%dma_start3A_138 : memref<1000000x32xf32, #tpu.memory_space<hbm>>) target(%dma_start3A_130 : memref<128x32xf32, #tpu.memory_space<vmem>>) offsets(%dma_start3A_135 : memref<128xi32, #tpu.memory_space<vmem>>) semaphore(%arg8 : memref<!tpu.dma_semaphore, #tpu.memory_space<semaphore_mem>>)
          %dma_start3A_139 = arith.constant 1 : i32
          %dma_start3A_140 = arith.constant 1 : i32
          %dma_start3A_141 = arith.constant 0 : i32
          %dma_start3A_142 = arith.constant 0 : i32
          %dma_start3A_143 = tpu.memref_slice %arg6[%dma_start3A_140, %dma_start3A_141, %dma_start3A_142] : memref<2x1600x32xf32, #tpu.memory_space<vmem>> -> memref<1x1600x32xf32, #tpu.memory_space<vmem>>
          %dma_start3A_144 = tpu.memref_squeeze %dma_start3A_143 : memref<1x1600x32xf32, #tpu.memory_space<vmem>> -> memref<1600x32xf32, #tpu.memory_space<vmem>>
          %dma_start3A_145 = arith.constant 384 : i32
          %dma_start3A_146 = arith.constant 0 : i32
          %dma_start3A_147 = tpu.memref_slice %dma_start3A_144[%dma_start3A_145, %dma_start3A_146] : memref<1600x32xf32, #tpu.memory_space<vmem>> -> memref<128x32xf32, #tpu.memory_space<vmem>>
          %dma_start3A_148 = arith.constant 0 : i32
          %dma_start3A_149 = tpu.memref_slice %arg5[%dma_start3A_139, %dma_start3A_148] : memref<2x1600xi32, #tpu.memory_space<vmem>> -> memref<1x1600xi32, #tpu.memory_space<vmem>>
          %dma_start3A_150 = tpu.memref_squeeze %dma_start3A_149 : memref<1x1600xi32, #tpu.memory_space<vmem>> -> memref<1600xi32, #tpu.memory_space<vmem>>
          %dma_start3A_151 = arith.constant 384 : i32
          %dma_start3A_152 = tpu.memref_slice %dma_start3A_150[%dma_start3A_151] : memref<1600xi32, #tpu.memory_space<vmem>> -> memref<128xi32, #tpu.memory_space<vmem>>
          %dma_start3A_153 = arith.constant 0 : i32
          %dma_start3A_154 = arith.constant 0 : i32
          %dma_start3A_155 = tpu.memref_slice %arg3[%dma_start3A_153, %dma_start3A_154] : memref<1000000x32xf32, #tpu.memory_space<hbm>> -> memref<1000000x32xf32, #tpu.memory_space<hbm>>
          tpu.enqueue_indirect_dma source(%dma_start3A_155 : memref<1000000x32xf32, #tpu.memory_space<hbm>>) target(%dma_start3A_147 : memref<128x32xf32, #tpu.memory_space<vmem>>) offsets(%dma_start3A_152 : memref<128xi32, #tpu.memory_space<vmem>>) semaphore(%arg8 : memref<!tpu.dma_semaphore, #tpu.memory_space<semaphore_mem>>)
          %dma_start3A_156 = arith.constant 1 : i32
          %dma_start3A_157 = arith.constant 1 : i32
          %dma_start3A_158 = arith.constant 0 : i32
          %dma_start3A_159 = arith.constant 0 : i32
          %dma_start3A_160 = tpu.memref_slice %arg6[%dma_start3A_157, %dma_start3A_158, %dma_start3A_159] : memref<2x1600x32xf32, #tpu.memory_space<vmem>> -> memref<1x1600x32xf32, #tpu.memory_space<vmem>>
          %dma_start3A_161 = tpu.memref_squeeze %dma_start3A_160 : memref<1x1600x32xf32, #tpu.memory_space<vmem>> -> memref<1600x32xf32, #tpu.memory_space<vmem>>
          %dma_start3A_162 = arith.constant 512 : i32
          %dma_start3A_163 = arith.constant 0 : i32
          %dma_start3A_164 = tpu.memref_slice %dma_start3A_161[%dma_start3A_162, %dma_start3A_163] : memref<1600x32xf32, #tpu.memory_space<vmem>> -> memref<128x32xf32, #tpu.memory_space<vmem>>
          %dma_start3A_165 = arith.constant 0 : i32
          %dma_start3A_166 = tpu.memref_slice %arg5[%dma_start3A_156, %dma_start3A_165] : memref<2x1600xi32, #tpu.memory_space<vmem>> -> memref<1x1600xi32, #tpu.memory_space<vmem>>
          %dma_start3A_167 = tpu.memref_squeeze %dma_start3A_166 : memref<1x1600xi32, #tpu.memory_space<vmem>> -> memref<1600xi32, #tpu.memory_space<vmem>>
          %dma_start3A_168 = arith.constant 512 : i32
          %dma_start3A_169 = tpu.memref_slice %dma_start3A_167[%dma_start3A_168] : memref<1600xi32, #tpu.memory_space<vmem>> -> memref<128xi32, #tpu.memory_space<vmem>>
          %dma_start3A_170 = arith.constant 0 : i32
          %dma_start3A_171 = arith.constant 0 : i32
          %dma_start3A_172 = tpu.memref_slice %arg3[%dma_start3A_170, %dma_start3A_171] : memref<1000000x32xf32, #tpu.memory_space<hbm>> -> memref<1000000x32xf32, #tpu.memory_space<hbm>>
          tpu.enqueue_indirect_dma source(%dma_start3A_172 : memref<1000000x32xf32, #tpu.memory_space<hbm>>) target(%dma_start3A_164 : memref<128x32xf32, #tpu.memory_space<vmem>>) offsets(%dma_start3A_169 : memref<128xi32, #tpu.memory_space<vmem>>) semaphore(%arg8 : memref<!tpu.dma_semaphore, #tpu.memory_space<semaphore_mem>>)
          %dma_start3A_173 = arith.constant 1 : i32
          %dma_start3A_174 = arith.constant 1 : i32
          %dma_start3A_175 = arith.constant 0 : i32
          %dma_start3A_176 = arith.constant 0 : i32
          %dma_start3A_177 = tpu.memref_slice %arg6[%dma_start3A_174, %dma_start3A_175, %dma_start3A_176] : memref<2x1600x32xf32, #tpu.memory_space<vmem>> -> memref<1x1600x32xf32, #tpu.memory_space<vmem>>
          %dma_start3A_178 = tpu.memref_squeeze %dma_start3A_177 : memref<1x1600x32xf32, #tpu.memory_space<vmem>> -> memref<1600x32xf32, #tpu.memory_space<vmem>>
          %dma_start3A_179 = arith.constant 640 : i32
          %dma_start3A_180 = arith.constant 0 : i32
          %dma_start3A_181 = tpu.memref_slice %dma_start3A_178[%dma_start3A_179, %dma_start3A_180] : memref<1600x32xf32, #tpu.memory_space<vmem>> -> memref<128x32xf32, #tpu.memory_space<vmem>>
          %dma_start3A_182 = arith.constant 0 : i32
          %dma_start3A_183 = tpu.memref_slice %arg5[%dma_start3A_173, %dma_start3A_182] : memref<2x1600xi32, #tpu.memory_space<vmem>> -> memref<1x1600xi32, #tpu.memory_space<vmem>>
          %dma_start3A_184 = tpu.memref_squeeze %dma_start3A_183 : memref<1x1600xi32, #tpu.memory_space<vmem>> -> memref<1600xi32, #tpu.memory_space<vmem>>
          %dma_start3A_185 = arith.constant 640 : i32
          %dma_start3A_186 = tpu.memref_slice %dma_start3A_184[%dma_start3A_185] : memref<1600xi32, #tpu.memory_space<vmem>> -> memref<128xi32, #tpu.memory_space<vmem>>
          %dma_start3A_187 = arith.constant 0 : i32
          %dma_start3A_188 = arith.constant 0 : i32
          %dma_start3A_189 = tpu.memref_slice %arg3[%dma_start3A_187, %dma_start3A_188] : memref<1000000x32xf32, #tpu.memory_space<hbm>> -> memref<1000000x32xf32, #tpu.memory_space<hbm>>
          tpu.enqueue_indirect_dma source(%dma_start3A_189 : memref<1000000x32xf32, #tpu.memory_space<hbm>>) target(%dma_start3A_181 : memref<128x32xf32, #tpu.memory_space<vmem>>) offsets(%dma_start3A_186 : memref<128xi32, #tpu.memory_space<vmem>>) semaphore(%arg8 : memref<!tpu.dma_semaphore, #tpu.memory_space<semaphore_mem>>)
          %dma_start3A_190 = arith.constant 1 : i32
          %dma_start3A_191 = arith.constant 1 : i32
          %dma_start3A_192 = arith.constant 0 : i32
          %dma_start3A_193 = arith.constant 0 : i32
          %dma_start3A_194 = tpu.memref_slice %arg6[%dma_start3A_191, %dma_start3A_192, %dma_start3A_193] : memref<2x1600x32xf32, #tpu.memory_space<vmem>> -> memref<1x1600x32xf32, #tpu.memory_space<vmem>>
          %dma_start3A_195 = tpu.memref_squeeze %dma_start3A_194 : memref<1x1600x32xf32, #tpu.memory_space<vmem>> -> memref<1600x32xf32, #tpu.memory_space<vmem>>
          %dma_start3A_196 = arith.constant 768 : i32
          %dma_start3A_197 = arith.constant 0 : i32
          %dma_start3A_198 = tpu.memref_slice %dma_start3A_195[%dma_start3A_196, %dma_start3A_197] : memref<1600x32xf32, #tpu.memory_space<vmem>> -> memref<128x32xf32, #tpu.memory_space<vmem>>
          %dma_start3A_199 = arith.constant 0 : i32
          %dma_start3A_200 = tpu.memref_slice %arg5[%dma_start3A_190, %dma_start3A_199] : memref<2x1600xi32, #tpu.memory_space<vmem>> -> memref<1x1600xi32, #tpu.memory_space<vmem>>
          %dma_start3A_201 = tpu.memref_squeeze %dma_start3A_200 : memref<1x1600xi32, #tpu.memory_space<vmem>> -> memref<1600xi32, #tpu.memory_space<vmem>>
          %dma_start3A_202 = arith.constant 768 : i32
          %dma_start3A_203 = tpu.memref_slice %dma_start3A_201[%dma_start3A_202] : memref<1600xi32, #tpu.memory_space<vmem>> -> memref<128xi32, #tpu.memory_space<vmem>>
          %dma_start3A_204 = arith.constant 0 : i32
          %dma_start3A_205 = arith.constant 0 : i32
          %dma_start3A_206 = tpu.memref_slice %arg3[%dma_start3A_204, %dma_start3A_205] : memref<1000000x32xf32, #tpu.memory_space<hbm>> -> memref<1000000x32xf32, #tpu.memory_space<hbm>>
          tpu.enqueue_indirect_dma source(%dma_start3A_206 : memref<1000000x32xf32, #tpu.memory_space<hbm>>) target(%dma_start3A_198 : memref<128x32xf32, #tpu.memory_space<vmem>>) offsets(%dma_start3A_203 : memref<128xi32, #tpu.memory_space<vmem>>) semaphore(%arg8 : memref<!tpu.dma_semaphore, #tpu.memory_space<semaphore_mem>>)
          %dma_start3A_207 = arith.constant 1 : i32
          %dma_start3A_208 = arith.constant 1 : i32
          %dma_start3A_209 = arith.constant 0 : i32
          %dma_start3A_210 = arith.constant 0 : i32
          %dma_start3A_211 = tpu.memref_slice %arg6[%dma_start3A_208, %dma_start3A_209, %dma_start3A_210] : memref<2x1600x32xf32, #tpu.memory_space<vmem>> -> memref<1x1600x32xf32, #tpu.memory_space<vmem>>
          %dma_start3A_212 = tpu.memref_squeeze %dma_start3A_211 : memref<1x1600x32xf32, #tpu.memory_space<vmem>> -> memref<1600x32xf32, #tpu.memory_space<vmem>>
          %dma_start3A_213 = arith.constant 896 : i32
          %dma_start3A_214 = arith.constant 0 : i32
          %dma_start3A_215 = tpu.memref_slice %dma_start3A_212[%dma_start3A_213, %dma_start3A_214] : memref<1600x32xf32, #tpu.memory_space<vmem>> -> memref<128x32xf32, #tpu.memory_space<vmem>>
          %dma_start3A_216 = arith.constant 0 : i32
          %dma_start3A_217 = tpu.memref_slice %arg5[%dma_start3A_207, %dma_start3A_216] : memref<2x1600xi32, #tpu.memory_space<vmem>> -> memref<1x1600xi32, #tpu.memory_space<vmem>>
          %dma_start3A_218 = tpu.memref_squeeze %dma_start3A_217 : memref<1x1600xi32, #tpu.memory_space<vmem>> -> memref<1600xi32, #tpu.memory_space<vmem>>
          %dma_start3A_219 = arith.constant 896 : i32
          %dma_start3A_220 = tpu.memref_slice %dma_start3A_218[%dma_start3A_219] : memref<1600xi32, #tpu.memory_space<vmem>> -> memref<128xi32, #tpu.memory_space<vmem>>
          %dma_start3A_221 = arith.constant 0 : i32
          %dma_start3A_222 = arith.constant 0 : i32
          %dma_start3A_223 = tpu.memref_slice %arg3[%dma_start3A_221, %dma_start3A_222] : memref<1000000x32xf32, #tpu.memory_space<hbm>> -> memref<1000000x32xf32, #tpu.memory_space<hbm>>
          tpu.enqueue_indirect_dma source(%dma_start3A_223 : memref<1000000x32xf32, #tpu.memory_space<hbm>>) target(%dma_start3A_215 : memref<128x32xf32, #tpu.memory_space<vmem>>) offsets(%dma_start3A_220 : memref<128xi32, #tpu.memory_space<vmem>>) semaphore(%arg8 : memref<!tpu.dma_semaphore, #tpu.memory_space<semaphore_mem>>)
          %dma_start3A_224 = arith.constant 1 : i32
          %dma_start3A_225 = arith.constant 1 : i32
          %dma_start3A_226 = arith.constant 0 : i32
          %dma_start3A_227 = arith.constant 0 : i32
          %dma_start3A_228 = tpu.memref_slice %arg6[%dma_start3A_225, %dma_start3A_226, %dma_start3A_227] : memref<2x1600x32xf32, #tpu.memory_space<vmem>> -> memref<1x1600x32xf32, #tpu.memory_space<vmem>>
          %dma_start3A_229 = tpu.memref_squeeze %dma_start3A_228 : memref<1x1600x32xf32, #tpu.memory_space<vmem>> -> memref<1600x32xf32, #tpu.memory_space<vmem>>
          %dma_start3A_230 = arith.constant 1024 : i32
          %dma_start3A_231 = arith.constant 0 : i32
          %dma_start3A_232 = tpu.memref_slice %dma_start3A_229[%dma_start3A_230, %dma_start3A_231] : memref<1600x32xf32, #tpu.memory_space<vmem>> -> memref<128x32xf32, #tpu.memory_space<vmem>>
          %dma_start3A_233 = arith.constant 0 : i32
          %dma_start3A_234 = tpu.memref_slice %arg5[%dma_start3A_224, %dma_start3A_233] : memref<2x1600xi32, #tpu.memory_space<vmem>> -> memref<1x1600xi32, #tpu.memory_space<vmem>>
          %dma_start3A_235 = tpu.memref_squeeze %dma_start3A_234 : memref<1x1600xi32, #tpu.memory_space<vmem>> -> memref<1600xi32, #tpu.memory_space<vmem>>
          %dma_start3A_236 = arith.constant 1024 : i32
          %dma_start3A_237 = tpu.memref_slice %dma_start3A_235[%dma_start3A_236] : memref<1600xi32, #tpu.memory_space<vmem>> -> memref<128xi32, #tpu.memory_space<vmem>>
          %dma_start3A_238 = arith.constant 0 : i32
          %dma_start3A_239 = arith.constant 0 : i32
          %dma_start3A_240 = tpu.memref_slice %arg3[%dma_start3A_238, %dma_start3A_239] : memref<1000000x32xf32, #tpu.memory_space<hbm>> -> memref<1000000x32xf32, #tpu.memory_space<hbm>>
          tpu.enqueue_indirect_dma source(%dma_start3A_240 : memref<1000000x32xf32, #tpu.memory_space<hbm>>) target(%dma_start3A_232 : memref<128x32xf32, #tpu.memory_space<vmem>>) offsets(%dma_start3A_237 : memref<128xi32, #tpu.memory_space<vmem>>) semaphore(%arg8 : memref<!tpu.dma_semaphore, #tpu.memory_space<semaphore_mem>>)
          %dma_start3A_241 = arith.constant 1 : i32
          %dma_start3A_242 = arith.constant 1 : i32
          %dma_start3A_243 = arith.constant 0 : i32
          %dma_start3A_244 = arith.constant 0 : i32
          %dma_start3A_245 = tpu.memref_slice %arg6[%dma_start3A_242, %dma_start3A_243, %dma_start3A_244] : memref<2x1600x32xf32, #tpu.memory_space<vmem>> -> memref<1x1600x32xf32, #tpu.memory_space<vmem>>
          %dma_start3A_246 = tpu.memref_squeeze %dma_start3A_245 : memref<1x1600x32xf32, #tpu.memory_space<vmem>> -> memref<1600x32xf32, #tpu.memory_space<vmem>>
          %dma_start3A_247 = arith.constant 1152 : i32
          %dma_start3A_248 = arith.constant 0 : i32
          %dma_start3A_249 = tpu.memref_slice %dma_start3A_246[%dma_start3A_247, %dma_start3A_248] : memref<1600x32xf32, #tpu.memory_space<vmem>> -> memref<128x32xf32, #tpu.memory_space<vmem>>
          %dma_start3A_250 = arith.constant 0 : i32
          %dma_start3A_251 = tpu.memref_slice %arg5[%dma_start3A_241, %dma_start3A_250] : memref<2x1600xi32, #tpu.memory_space<vmem>> -> memref<1x1600xi32, #tpu.memory_space<vmem>>
          %dma_start3A_252 = tpu.memref_squeeze %dma_start3A_251 : memref<1x1600xi32, #tpu.memory_space<vmem>> -> memref<1600xi32, #tpu.memory_space<vmem>>
          %dma_start3A_253 = arith.constant 1152 : i32
          %dma_start3A_254 = tpu.memref_slice %dma_start3A_252[%dma_start3A_253] : memref<1600xi32, #tpu.memory_space<vmem>> -> memref<128xi32, #tpu.memory_space<vmem>>
          %dma_start3A_255 = arith.constant 0 : i32
          %dma_start3A_256 = arith.constant 0 : i32
          %dma_start3A_257 = tpu.memref_slice %arg3[%dma_start3A_255, %dma_start3A_256] : memref<1000000x32xf32, #tpu.memory_space<hbm>> -> memref<1000000x32xf32, #tpu.memory_space<hbm>>
          tpu.enqueue_indirect_dma source(%dma_start3A_257 : memref<1000000x32xf32, #tpu.memory_space<hbm>>) target(%dma_start3A_249 : memref<128x32xf32, #tpu.memory_space<vmem>>) offsets(%dma_start3A_254 : memref<128xi32, #tpu.memory_space<vmem>>) semaphore(%arg8 : memref<!tpu.dma_semaphore, #tpu.memory_space<semaphore_mem>>)
          %dma_start3A_258 = arith.constant 1 : i32
          %dma_start3A_259 = arith.constant 1 : i32
          %dma_start3A_260 = arith.constant 0 : i32
          %dma_start3A_261 = arith.constant 0 : i32
          %dma_start3A_262 = tpu.memref_slice %arg6[%dma_start3A_259, %dma_start3A_260, %dma_start3A_261] : memref<2x1600x32xf32, #tpu.memory_space<vmem>> -> memref<1x1600x32xf32, #tpu.memory_space<vmem>>
          %dma_start3A_263 = tpu.memref_squeeze %dma_start3A_262 : memref<1x1600x32xf32, #tpu.memory_space<vmem>> -> memref<1600x32xf32, #tpu.memory_space<vmem>>
          %dma_start3A_264 = arith.constant 1280 : i32
          %dma_start3A_265 = arith.constant 0 : i32
          %dma_start3A_266 = tpu.memref_slice %dma_start3A_263[%dma_start3A_264, %dma_start3A_265] : memref<1600x32xf32, #tpu.memory_space<vmem>> -> memref<128x32xf32, #tpu.memory_space<vmem>>
          %dma_start3A_267 = arith.constant 0 : i32
          %dma_start3A_268 = tpu.memref_slice %arg5[%dma_start3A_258, %dma_start3A_267] : memref<2x1600xi32, #tpu.memory_space<vmem>> -> memref<1x1600xi32, #tpu.memory_space<vmem>>
          %dma_start3A_269 = tpu.memref_squeeze %dma_start3A_268 : memref<1x1600xi32, #tpu.memory_space<vmem>> -> memref<1600xi32, #tpu.memory_space<vmem>>
          %dma_start3A_270 = arith.constant 1280 : i32
          %dma_start3A_271 = tpu.memref_slice %dma_start3A_269[%dma_start3A_270] : memref<1600xi32, #tpu.memory_space<vmem>> -> memref<128xi32, #tpu.memory_space<vmem>>
          %dma_start3A_272 = arith.constant 0 : i32
          %dma_start3A_273 = arith.constant 0 : i32
          %dma_start3A_274 = tpu.memref_slice %arg3[%dma_start3A_272, %dma_start3A_273] : memref<1000000x32xf32, #tpu.memory_space<hbm>> -> memref<1000000x32xf32, #tpu.memory_space<hbm>>
          tpu.enqueue_indirect_dma source(%dma_start3A_274 : memref<1000000x32xf32, #tpu.memory_space<hbm>>) target(%dma_start3A_266 : memref<128x32xf32, #tpu.memory_space<vmem>>) offsets(%dma_start3A_271 : memref<128xi32, #tpu.memory_space<vmem>>) semaphore(%arg8 : memref<!tpu.dma_semaphore, #tpu.memory_space<semaphore_mem>>)
          %dma_start3A_275 = arith.constant 1 : i32
          %dma_start3A_276 = arith.constant 1 : i32
          %dma_start3A_277 = arith.constant 0 : i32
          %dma_start3A_278 = arith.constant 0 : i32
          %dma_start3A_279 = tpu.memref_slice %arg6[%dma_start3A_276, %dma_start3A_277, %dma_start3A_278] : memref<2x1600x32xf32, #tpu.memory_space<vmem>> -> memref<1x1600x32xf32, #tpu.memory_space<vmem>>
          %dma_start3A_280 = tpu.memref_squeeze %dma_start3A_279 : memref<1x1600x32xf32, #tpu.memory_space<vmem>> -> memref<1600x32xf32, #tpu.memory_space<vmem>>
          %dma_start3A_281 = arith.constant 1408 : i32
          %dma_start3A_282 = arith.constant 0 : i32
          %dma_start3A_283 = tpu.memref_slice %dma_start3A_280[%dma_start3A_281, %dma_start3A_282] : memref<1600x32xf32, #tpu.memory_space<vmem>> -> memref<128x32xf32, #tpu.memory_space<vmem>>
          %dma_start3A_284 = arith.constant 0 : i32
          %dma_start3A_285 = tpu.memref_slice %arg5[%dma_start3A_275, %dma_start3A_284] : memref<2x1600xi32, #tpu.memory_space<vmem>> -> memref<1x1600xi32, #tpu.memory_space<vmem>>
          %dma_start3A_286 = tpu.memref_squeeze %dma_start3A_285 : memref<1x1600xi32, #tpu.memory_space<vmem>> -> memref<1600xi32, #tpu.memory_space<vmem>>
          %dma_start3A_287 = arith.constant 1408 : i32
          %dma_start3A_288 = tpu.memref_slice %dma_start3A_286[%dma_start3A_287] : memref<1600xi32, #tpu.memory_space<vmem>> -> memref<128xi32, #tpu.memory_space<vmem>>
          %dma_start3A_289 = arith.constant 0 : i32
          %dma_start3A_290 = arith.constant 0 : i32
          %dma_start3A_291 = tpu.memref_slice %arg3[%dma_start3A_289, %dma_start3A_290] : memref<1000000x32xf32, #tpu.memory_space<hbm>> -> memref<1000000x32xf32, #tpu.memory_space<hbm>>
          tpu.enqueue_indirect_dma source(%dma_start3A_291 : memref<1000000x32xf32, #tpu.memory_space<hbm>>) target(%dma_start3A_283 : memref<128x32xf32, #tpu.memory_space<vmem>>) offsets(%dma_start3A_288 : memref<128xi32, #tpu.memory_space<vmem>>) semaphore(%arg8 : memref<!tpu.dma_semaphore, #tpu.memory_space<semaphore_mem>>)
          %dma_start3A_292 = arith.constant 1 : i32
          %dma_start3A_293 = arith.constant 1 : i32
          %dma_start3A_294 = arith.constant 0 : i32
          %dma_start3A_295 = arith.constant 0 : i32
          %dma_start3A_296 = tpu.memref_slice %arg6[%dma_start3A_293, %dma_start3A_294, %dma_start3A_295] : memref<2x1600x32xf32, #tpu.memory_space<vmem>> -> memref<1x1600x32xf32, #tpu.memory_space<vmem>>
          %dma_start3A_297 = tpu.memref_squeeze %dma_start3A_296 : memref<1x1600x32xf32, #tpu.memory_space<vmem>> -> memref<1600x32xf32, #tpu.memory_space<vmem>>
          %dma_start3A_298 = arith.constant 1536 : i32
          %dma_start3A_299 = arith.constant 0 : i32
          %dma_start3A_300 = tpu.memref_slice %dma_start3A_297[%dma_start3A_298, %dma_start3A_299] : memref<1600x32xf32, #tpu.memory_space<vmem>> -> memref<64x32xf32, #tpu.memory_space<vmem>>
          %dma_start3A_301 = arith.constant 0 : i32
          %dma_start3A_302 = tpu.memref_slice %arg5[%dma_start3A_292, %dma_start3A_301] : memref<2x1600xi32, #tpu.memory_space<vmem>> -> memref<1x1600xi32, #tpu.memory_space<vmem>>
          %dma_start3A_303 = tpu.memref_squeeze %dma_start3A_302 : memref<1x1600xi32, #tpu.memory_space<vmem>> -> memref<1600xi32, #tpu.memory_space<vmem>>
          %dma_start3A_304 = arith.constant 1536 : i32
          %dma_start3A_305 = tpu.memref_slice %dma_start3A_303[%dma_start3A_304] : memref<1600xi32, #tpu.memory_space<vmem>> -> memref<64xi32, #tpu.memory_space<vmem>>
          %dma_start3A_306 = arith.constant 0 : i32
          %dma_start3A_307 = arith.constant 0 : i32
          %dma_start3A_308 = tpu.memref_slice %arg3[%dma_start3A_306, %dma_start3A_307] : memref<1000000x32xf32, #tpu.memory_space<hbm>> -> memref<1000000x32xf32, #tpu.memory_space<hbm>>
          tpu.enqueue_indirect_dma source(%dma_start3A_308 : memref<1000000x32xf32, #tpu.memory_space<hbm>>) target(%dma_start3A_300 : memref<64x32xf32, #tpu.memory_space<vmem>>) offsets(%dma_start3A_305 : memref<64xi32, #tpu.memory_space<vmem>>) semaphore(%arg8 : memref<!tpu.dma_semaphore, #tpu.memory_space<semaphore_mem>>)
        } else {
          %dma_start3A_88 = arith.constant 0 : i32
          %dma_start3A_89 = arith.constant 0 : i32
          %dma_start3A_90 = arith.constant 0 : i32
          %dma_start3A_91 = arith.constant 0 : i32
          %dma_start3A_92 = tpu.memref_slice %arg6[%dma_start3A_89, %dma_start3A_90, %dma_start3A_91] : memref<2x1600x32xf32, #tpu.memory_space<vmem>> -> memref<1x1600x32xf32, #tpu.memory_space<vmem>>
          %dma_start3A_93 = tpu.memref_squeeze %dma_start3A_92 : memref<1x1600x32xf32, #tpu.memory_space<vmem>> -> memref<1600x32xf32, #tpu.memory_space<vmem>>
          %dma_start3A_94 = arith.constant 0 : i32
          %dma_start3A_95 = arith.constant 0 : i32
          %dma_start3A_96 = tpu.memref_slice %dma_start3A_93[%dma_start3A_94, %dma_start3A_95] : memref<1600x32xf32, #tpu.memory_space<vmem>> -> memref<128x32xf32, #tpu.memory_space<vmem>>
          %dma_start3A_97 = arith.constant 0 : i32
          %dma_start3A_98 = tpu.memref_slice %arg5[%dma_start3A_88, %dma_start3A_97] : memref<2x1600xi32, #tpu.memory_space<vmem>> -> memref<1x1600xi32, #tpu.memory_space<vmem>>
          %dma_start3A_99 = tpu.memref_squeeze %dma_start3A_98 : memref<1x1600xi32, #tpu.memory_space<vmem>> -> memref<1600xi32, #tpu.memory_space<vmem>>
          %dma_start3A_100 = arith.constant 0 : i32
          %dma_start3A_101 = tpu.memref_slice %dma_start3A_99[%dma_start3A_100] : memref<1600xi32, #tpu.memory_space<vmem>> -> memref<128xi32, #tpu.memory_space<vmem>>
          %dma_start3A_102 = arith.constant 0 : i32
          %dma_start3A_103 = arith.constant 0 : i32
          %dma_start3A_104 = tpu.memref_slice %arg3[%dma_start3A_102, %dma_start3A_103] : memref<1000000x32xf32, #tpu.memory_space<hbm>> -> memref<1000000x32xf32, #tpu.memory_space<hbm>>
          tpu.enqueue_indirect_dma source(%dma_start3A_104 : memref<1000000x32xf32, #tpu.memory_space<hbm>>) target(%dma_start3A_96 : memref<128x32xf32, #tpu.memory_space<vmem>>) offsets(%dma_start3A_101 : memref<128xi32, #tpu.memory_space<vmem>>) semaphore(%arg7 : memref<!tpu.dma_semaphore, #tpu.memory_space<semaphore_mem>>)
          %dma_start3A_105 = arith.constant 0 : i32
          %dma_start3A_106 = arith.constant 0 : i32
          %dma_start3A_107 = arith.constant 0 : i32
          %dma_start3A_108 = arith.constant 0 : i32
          %dma_start3A_109 = tpu.memref_slice %arg6[%dma_start3A_106, %dma_start3A_107, %dma_start3A_108] : memref<2x1600x32xf32, #tpu.memory_space<vmem>> -> memref<1x1600x32xf32, #tpu.memory_space<vmem>>
          %dma_start3A_110 = tpu.memref_squeeze %dma_start3A_109 : memref<1x1600x32xf32, #tpu.memory_space<vmem>> -> memref<1600x32xf32, #tpu.memory_space<vmem>>
          %dma_start3A_111 = arith.constant 128 : i32
          %dma_start3A_112 = arith.constant 0 : i32
          %dma_start3A_113 = tpu.memref_slice %dma_start3A_110[%dma_start3A_111, %dma_start3A_112] : memref<1600x32xf32, #tpu.memory_space<vmem>> -> memref<128x32xf32, #tpu.memory_space<vmem>>
          %dma_start3A_114 = arith.constant 0 : i32
          %dma_start3A_115 = tpu.memref_slice %arg5[%dma_start3A_105, %dma_start3A_114] : memref<2x1600xi32, #tpu.memory_space<vmem>> -> memref<1x1600xi32, #tpu.memory_space<vmem>>
          %dma_start3A_116 = tpu.memref_squeeze %dma_start3A_115 : memref<1x1600xi32, #tpu.memory_space<vmem>> -> memref<1600xi32, #tpu.memory_space<vmem>>
          %dma_start3A_117 = arith.constant 128 : i32
          %dma_start3A_118 = tpu.memref_slice %dma_start3A_116[%dma_start3A_117] : memref<1600xi32, #tpu.memory_space<vmem>> -> memref<128xi32, #tpu.memory_space<vmem>>
          %dma_start3A_119 = arith.constant 0 : i32
          %dma_start3A_120 = arith.constant 0 : i32
          %dma_start3A_121 = tpu.memref_slice %arg3[%dma_start3A_119, %dma_start3A_120] : memref<1000000x32xf32, #tpu.memory_space<hbm>> -> memref<1000000x32xf32, #tpu.memory_space<hbm>>
          tpu.enqueue_indirect_dma source(%dma_start3A_121 : memref<1000000x32xf32, #tpu.memory_space<hbm>>) target(%dma_start3A_113 : memref<128x32xf32, #tpu.memory_space<vmem>>) offsets(%dma_start3A_118 : memref<128xi32, #tpu.memory_space<vmem>>) semaphore(%arg7 : memref<!tpu.dma_semaphore, #tpu.memory_space<semaphore_mem>>)
          %dma_start3A_122 = arith.constant 0 : i32
          %dma_start3A_123 = arith.constant 0 : i32
          %dma_start3A_124 = arith.constant 0 : i32
          %dma_start3A_125 = arith.constant 0 : i32
          %dma_start3A_126 = tpu.memref_slice %arg6[%dma_start3A_123, %dma_start3A_124, %dma_start3A_125] : memref<2x1600x32xf32, #tpu.memory_space<vmem>> -> memref<1x1600x32xf32, #tpu.memory_space<vmem>>
          %dma_start3A_127 = tpu.memref_squeeze %dma_start3A_126 : memref<1x1600x32xf32, #tpu.memory_space<vmem>> -> memref<1600x32xf32, #tpu.memory_space<vmem>>
          %dma_start3A_128 = arith.constant 256 : i32
          %dma_start3A_129 = arith.constant 0 : i32
          %dma_start3A_130 = tpu.memref_slice %dma_start3A_127[%dma_start3A_128, %dma_start3A_129] : memref<1600x32xf32, #tpu.memory_space<vmem>> -> memref<128x32xf32, #tpu.memory_space<vmem>>
          %dma_start3A_131 = arith.constant 0 : i32
          %dma_start3A_132 = tpu.memref_slice %arg5[%dma_start3A_122, %dma_start3A_131] : memref<2x1600xi32, #tpu.memory_space<vmem>> -> memref<1x1600xi32, #tpu.memory_space<vmem>>
          %dma_start3A_133 = tpu.memref_squeeze %dma_start3A_132 : memref<1x1600xi32, #tpu.memory_space<vmem>> -> memref<1600xi32, #tpu.memory_space<vmem>>
          %dma_start3A_134 = arith.constant 256 : i32
          %dma_start3A_135 = tpu.memref_slice %dma_start3A_133[%dma_start3A_134] : memref<1600xi32, #tpu.memory_space<vmem>> -> memref<128xi32, #tpu.memory_space<vmem>>
          %dma_start3A_136 = arith.constant 0 : i32
          %dma_start3A_137 = arith.constant 0 : i32
          %dma_start3A_138 = tpu.memref_slice %arg3[%dma_start3A_136, %dma_start3A_137] : memref<1000000x32xf32, #tpu.memory_space<hbm>> -> memref<1000000x32xf32, #tpu.memory_space<hbm>>
          tpu.enqueue_indirect_dma source(%dma_start3A_138 : memref<1000000x32xf32, #tpu.memory_space<hbm>>) target(%dma_start3A_130 : memref<128x32xf32, #tpu.memory_space<vmem>>) offsets(%dma_start3A_135 : memref<128xi32, #tpu.memory_space<vmem>>) semaphore(%arg7 : memref<!tpu.dma_semaphore, #tpu.memory_space<semaphore_mem>>)
          %dma_start3A_139 = arith.constant 0 : i32
          %dma_start3A_140 = arith.constant 0 : i32
          %dma_start3A_141 = arith.constant 0 : i32
          %dma_start3A_142 = arith.constant 0 : i32
          %dma_start3A_143 = tpu.memref_slice %arg6[%dma_start3A_140, %dma_start3A_141, %dma_start3A_142] : memref<2x1600x32xf32, #tpu.memory_space<vmem>> -> memref<1x1600x32xf32, #tpu.memory_space<vmem>>
          %dma_start3A_144 = tpu.memref_squeeze %dma_start3A_143 : memref<1x1600x32xf32, #tpu.memory_space<vmem>> -> memref<1600x32xf32, #tpu.memory_space<vmem>>
          %dma_start3A_145 = arith.constant 384 : i32
          %dma_start3A_146 = arith.constant 0 : i32
          %dma_start3A_147 = tpu.memref_slice %dma_start3A_144[%dma_start3A_145, %dma_start3A_146] : memref<1600x32xf32, #tpu.memory_space<vmem>> -> memref<128x32xf32, #tpu.memory_space<vmem>>
          %dma_start3A_148 = arith.constant 0 : i32
          %dma_start3A_149 = tpu.memref_slice %arg5[%dma_start3A_139, %dma_start3A_148] : memref<2x1600xi32, #tpu.memory_space<vmem>> -> memref<1x1600xi32, #tpu.memory_space<vmem>>
          %dma_start3A_150 = tpu.memref_squeeze %dma_start3A_149 : memref<1x1600xi32, #tpu.memory_space<vmem>> -> memref<1600xi32, #tpu.memory_space<vmem>>
          %dma_start3A_151 = arith.constant 384 : i32
          %dma_start3A_152 = tpu.memref_slice %dma_start3A_150[%dma_start3A_151] : memref<1600xi32, #tpu.memory_space<vmem>> -> memref<128xi32, #tpu.memory_space<vmem>>
          %dma_start3A_153 = arith.constant 0 : i32
          %dma_start3A_154 = arith.constant 0 : i32
          %dma_start3A_155 = tpu.memref_slice %arg3[%dma_start3A_153, %dma_start3A_154] : memref<1000000x32xf32, #tpu.memory_space<hbm>> -> memref<1000000x32xf32, #tpu.memory_space<hbm>>
          tpu.enqueue_indirect_dma source(%dma_start3A_155 : memref<1000000x32xf32, #tpu.memory_space<hbm>>) target(%dma_start3A_147 : memref<128x32xf32, #tpu.memory_space<vmem>>) offsets(%dma_start3A_152 : memref<128xi32, #tpu.memory_space<vmem>>) semaphore(%arg7 : memref<!tpu.dma_semaphore, #tpu.memory_space<semaphore_mem>>)
          %dma_start3A_156 = arith.constant 0 : i32
          %dma_start3A_157 = arith.constant 0 : i32
          %dma_start3A_158 = arith.constant 0 : i32
          %dma_start3A_159 = arith.constant 0 : i32
          %dma_start3A_160 = tpu.memref_slice %arg6[%dma_start3A_157, %dma_start3A_158, %dma_start3A_159] : memref<2x1600x32xf32, #tpu.memory_space<vmem>> -> memref<1x1600x32xf32, #tpu.memory_space<vmem>>
          %dma_start3A_161 = tpu.memref_squeeze %dma_start3A_160 : memref<1x1600x32xf32, #tpu.memory_space<vmem>> -> memref<1600x32xf32, #tpu.memory_space<vmem>>
          %dma_start3A_162 = arith.constant 512 : i32
          %dma_start3A_163 = arith.constant 0 : i32
          %dma_start3A_164 = tpu.memref_slice %dma_start3A_161[%dma_start3A_162, %dma_start3A_163] : memref<1600x32xf32, #tpu.memory_space<vmem>> -> memref<128x32xf32, #tpu.memory_space<vmem>>
          %dma_start3A_165 = arith.constant 0 : i32
          %dma_start3A_166 = tpu.memref_slice %arg5[%dma_start3A_156, %dma_start3A_165] : memref<2x1600xi32, #tpu.memory_space<vmem>> -> memref<1x1600xi32, #tpu.memory_space<vmem>>
          %dma_start3A_167 = tpu.memref_squeeze %dma_start3A_166 : memref<1x1600xi32, #tpu.memory_space<vmem>> -> memref<1600xi32, #tpu.memory_space<vmem>>
          %dma_start3A_168 = arith.constant 512 : i32
          %dma_start3A_169 = tpu.memref_slice %dma_start3A_167[%dma_start3A_168] : memref<1600xi32, #tpu.memory_space<vmem>> -> memref<128xi32, #tpu.memory_space<vmem>>
          %dma_start3A_170 = arith.constant 0 : i32
          %dma_start3A_171 = arith.constant 0 : i32
          %dma_start3A_172 = tpu.memref_slice %arg3[%dma_start3A_170, %dma_start3A_171] : memref<1000000x32xf32, #tpu.memory_space<hbm>> -> memref<1000000x32xf32, #tpu.memory_space<hbm>>
          tpu.enqueue_indirect_dma source(%dma_start3A_172 : memref<1000000x32xf32, #tpu.memory_space<hbm>>) target(%dma_start3A_164 : memref<128x32xf32, #tpu.memory_space<vmem>>) offsets(%dma_start3A_169 : memref<128xi32, #tpu.memory_space<vmem>>) semaphore(%arg7 : memref<!tpu.dma_semaphore, #tpu.memory_space<semaphore_mem>>)
          %dma_start3A_173 = arith.constant 0 : i32
          %dma_start3A_174 = arith.constant 0 : i32
          %dma_start3A_175 = arith.constant 0 : i32
          %dma_start3A_176 = arith.constant 0 : i32
          %dma_start3A_177 = tpu.memref_slice %arg6[%dma_start3A_174, %dma_start3A_175, %dma_start3A_176] : memref<2x1600x32xf32, #tpu.memory_space<vmem>> -> memref<1x1600x32xf32, #tpu.memory_space<vmem>>
          %dma_start3A_178 = tpu.memref_squeeze %dma_start3A_177 : memref<1x1600x32xf32, #tpu.memory_space<vmem>> -> memref<1600x32xf32, #tpu.memory_space<vmem>>
          %dma_start3A_179 = arith.constant 640 : i32
          %dma_start3A_180 = arith.constant 0 : i32
          %dma_start3A_181 = tpu.memref_slice %dma_start3A_178[%dma_start3A_179, %dma_start3A_180] : memref<1600x32xf32, #tpu.memory_space<vmem>> -> memref<128x32xf32, #tpu.memory_space<vmem>>
          %dma_start3A_182 = arith.constant 0 : i32
          %dma_start3A_183 = tpu.memref_slice %arg5[%dma_start3A_173, %dma_start3A_182] : memref<2x1600xi32, #tpu.memory_space<vmem>> -> memref<1x1600xi32, #tpu.memory_space<vmem>>
          %dma_start3A_184 = tpu.memref_squeeze %dma_start3A_183 : memref<1x1600xi32, #tpu.memory_space<vmem>> -> memref<1600xi32, #tpu.memory_space<vmem>>
          %dma_start3A_185 = arith.constant 640 : i32
          %dma_start3A_186 = tpu.memref_slice %dma_start3A_184[%dma_start3A_185] : memref<1600xi32, #tpu.memory_space<vmem>> -> memref<128xi32, #tpu.memory_space<vmem>>
          %dma_start3A_187 = arith.constant 0 : i32
          %dma_start3A_188 = arith.constant 0 : i32
          %dma_start3A_189 = tpu.memref_slice %arg3[%dma_start3A_187, %dma_start3A_188] : memref<1000000x32xf32, #tpu.memory_space<hbm>> -> memref<1000000x32xf32, #tpu.memory_space<hbm>>
          tpu.enqueue_indirect_dma source(%dma_start3A_189 : memref<1000000x32xf32, #tpu.memory_space<hbm>>) target(%dma_start3A_181 : memref<128x32xf32, #tpu.memory_space<vmem>>) offsets(%dma_start3A_186 : memref<128xi32, #tpu.memory_space<vmem>>) semaphore(%arg7 : memref<!tpu.dma_semaphore, #tpu.memory_space<semaphore_mem>>)
          %dma_start3A_190 = arith.constant 0 : i32
          %dma_start3A_191 = arith.constant 0 : i32
          %dma_start3A_192 = arith.constant 0 : i32
          %dma_start3A_193 = arith.constant 0 : i32
          %dma_start3A_194 = tpu.memref_slice %arg6[%dma_start3A_191, %dma_start3A_192, %dma_start3A_193] : memref<2x1600x32xf32, #tpu.memory_space<vmem>> -> memref<1x1600x32xf32, #tpu.memory_space<vmem>>
          %dma_start3A_195 = tpu.memref_squeeze %dma_start3A_194 : memref<1x1600x32xf32, #tpu.memory_space<vmem>> -> memref<1600x32xf32, #tpu.memory_space<vmem>>
          %dma_start3A_196 = arith.constant 768 : i32
          %dma_start3A_197 = arith.constant 0 : i32
          %dma_start3A_198 = tpu.memref_slice %dma_start3A_195[%dma_start3A_196, %dma_start3A_197] : memref<1600x32xf32, #tpu.memory_space<vmem>> -> memref<128x32xf32, #tpu.memory_space<vmem>>
          %dma_start3A_199 = arith.constant 0 : i32
          %dma_start3A_200 = tpu.memref_slice %arg5[%dma_start3A_190, %dma_start3A_199] : memref<2x1600xi32, #tpu.memory_space<vmem>> -> memref<1x1600xi32, #tpu.memory_space<vmem>>
          %dma_start3A_201 = tpu.memref_squeeze %dma_start3A_200 : memref<1x1600xi32, #tpu.memory_space<vmem>> -> memref<1600xi32, #tpu.memory_space<vmem>>
          %dma_start3A_202 = arith.constant 768 : i32
          %dma_start3A_203 = tpu.memref_slice %dma_start3A_201[%dma_start3A_202] : memref<1600xi32, #tpu.memory_space<vmem>> -> memref<128xi32, #tpu.memory_space<vmem>>
          %dma_start3A_204 = arith.constant 0 : i32
          %dma_start3A_205 = arith.constant 0 : i32
          %dma_start3A_206 = tpu.memref_slice %arg3[%dma_start3A_204, %dma_start3A_205] : memref<1000000x32xf32, #tpu.memory_space<hbm>> -> memref<1000000x32xf32, #tpu.memory_space<hbm>>
          tpu.enqueue_indirect_dma source(%dma_start3A_206 : memref<1000000x32xf32, #tpu.memory_space<hbm>>) target(%dma_start3A_198 : memref<128x32xf32, #tpu.memory_space<vmem>>) offsets(%dma_start3A_203 : memref<128xi32, #tpu.memory_space<vmem>>) semaphore(%arg7 : memref<!tpu.dma_semaphore, #tpu.memory_space<semaphore_mem>>)
          %dma_start3A_207 = arith.constant 0 : i32
          %dma_start3A_208 = arith.constant 0 : i32
          %dma_start3A_209 = arith.constant 0 : i32
          %dma_start3A_210 = arith.constant 0 : i32
          %dma_start3A_211 = tpu.memref_slice %arg6[%dma_start3A_208, %dma_start3A_209, %dma_start3A_210] : memref<2x1600x32xf32, #tpu.memory_space<vmem>> -> memref<1x1600x32xf32, #tpu.memory_space<vmem>>
          %dma_start3A_212 = tpu.memref_squeeze %dma_start3A_211 : memref<1x1600x32xf32, #tpu.memory_space<vmem>> -> memref<1600x32xf32, #tpu.memory_space<vmem>>
          %dma_start3A_213 = arith.constant 896 : i32
          %dma_start3A_214 = arith.constant 0 : i32
          %dma_start3A_215 = tpu.memref_slice %dma_start3A_212[%dma_start3A_213, %dma_start3A_214] : memref<1600x32xf32, #tpu.memory_space<vmem>> -> memref<128x32xf32, #tpu.memory_space<vmem>>
          %dma_start3A_216 = arith.constant 0 : i32
          %dma_start3A_217 = tpu.memref_slice %arg5[%dma_start3A_207, %dma_start3A_216] : memref<2x1600xi32, #tpu.memory_space<vmem>> -> memref<1x1600xi32, #tpu.memory_space<vmem>>
          %dma_start3A_218 = tpu.memref_squeeze %dma_start3A_217 : memref<1x1600xi32, #tpu.memory_space<vmem>> -> memref<1600xi32, #tpu.memory_space<vmem>>
          %dma_start3A_219 = arith.constant 896 : i32
          %dma_start3A_220 = tpu.memref_slice %dma_start3A_218[%dma_start3A_219] : memref<1600xi32, #tpu.memory_space<vmem>> -> memref<128xi32, #tpu.memory_space<vmem>>
          %dma_start3A_221 = arith.constant 0 : i32
          %dma_start3A_222 = arith.constant 0 : i32
          %dma_start3A_223 = tpu.memref_slice %arg3[%dma_start3A_221, %dma_start3A_222] : memref<1000000x32xf32, #tpu.memory_space<hbm>> -> memref<1000000x32xf32, #tpu.memory_space<hbm>>
          tpu.enqueue_indirect_dma source(%dma_start3A_223 : memref<1000000x32xf32, #tpu.memory_space<hbm>>) target(%dma_start3A_215 : memref<128x32xf32, #tpu.memory_space<vmem>>) offsets(%dma_start3A_220 : memref<128xi32, #tpu.memory_space<vmem>>) semaphore(%arg7 : memref<!tpu.dma_semaphore, #tpu.memory_space<semaphore_mem>>)
          %dma_start3A_224 = arith.constant 0 : i32
          %dma_start3A_225 = arith.constant 0 : i32
          %dma_start3A_226 = arith.constant 0 : i32
          %dma_start3A_227 = arith.constant 0 : i32
          %dma_start3A_228 = tpu.memref_slice %arg6[%dma_start3A_225, %dma_start3A_226, %dma_start3A_227] : memref<2x1600x32xf32, #tpu.memory_space<vmem>> -> memref<1x1600x32xf32, #tpu.memory_space<vmem>>
          %dma_start3A_229 = tpu.memref_squeeze %dma_start3A_228 : memref<1x1600x32xf32, #tpu.memory_space<vmem>> -> memref<1600x32xf32, #tpu.memory_space<vmem>>
          %dma_start3A_230 = arith.constant 1024 : i32
          %dma_start3A_231 = arith.constant 0 : i32
          %dma_start3A_232 = tpu.memref_slice %dma_start3A_229[%dma_start3A_230, %dma_start3A_231] : memref<1600x32xf32, #tpu.memory_space<vmem>> -> memref<128x32xf32, #tpu.memory_space<vmem>>
          %dma_start3A_233 = arith.constant 0 : i32
          %dma_start3A_234 = tpu.memref_slice %arg5[%dma_start3A_224, %dma_start3A_233] : memref<2x1600xi32, #tpu.memory_space<vmem>> -> memref<1x1600xi32, #tpu.memory_space<vmem>>
          %dma_start3A_235 = tpu.memref_squeeze %dma_start3A_234 : memref<1x1600xi32, #tpu.memory_space<vmem>> -> memref<1600xi32, #tpu.memory_space<vmem>>
          %dma_start3A_236 = arith.constant 1024 : i32
          %dma_start3A_237 = tpu.memref_slice %dma_start3A_235[%dma_start3A_236] : memref<1600xi32, #tpu.memory_space<vmem>> -> memref<128xi32, #tpu.memory_space<vmem>>
          %dma_start3A_238 = arith.constant 0 : i32
          %dma_start3A_239 = arith.constant 0 : i32
          %dma_start3A_240 = tpu.memref_slice %arg3[%dma_start3A_238, %dma_start3A_239] : memref<1000000x32xf32, #tpu.memory_space<hbm>> -> memref<1000000x32xf32, #tpu.memory_space<hbm>>
          tpu.enqueue_indirect_dma source(%dma_start3A_240 : memref<1000000x32xf32, #tpu.memory_space<hbm>>) target(%dma_start3A_232 : memref<128x32xf32, #tpu.memory_space<vmem>>) offsets(%dma_start3A_237 : memref<128xi32, #tpu.memory_space<vmem>>) semaphore(%arg7 : memref<!tpu.dma_semaphore, #tpu.memory_space<semaphore_mem>>)
          %dma_start3A_241 = arith.constant 0 : i32
          %dma_start3A_242 = arith.constant 0 : i32
          %dma_start3A_243 = arith.constant 0 : i32
          %dma_start3A_244 = arith.constant 0 : i32
          %dma_start3A_245 = tpu.memref_slice %arg6[%dma_start3A_242, %dma_start3A_243, %dma_start3A_244] : memref<2x1600x32xf32, #tpu.memory_space<vmem>> -> memref<1x1600x32xf32, #tpu.memory_space<vmem>>
          %dma_start3A_246 = tpu.memref_squeeze %dma_start3A_245 : memref<1x1600x32xf32, #tpu.memory_space<vmem>> -> memref<1600x32xf32, #tpu.memory_space<vmem>>
          %dma_start3A_247 = arith.constant 1152 : i32
          %dma_start3A_248 = arith.constant 0 : i32
          %dma_start3A_249 = tpu.memref_slice %dma_start3A_246[%dma_start3A_247, %dma_start3A_248] : memref<1600x32xf32, #tpu.memory_space<vmem>> -> memref<128x32xf32, #tpu.memory_space<vmem>>
          %dma_start3A_250 = arith.constant 0 : i32
          %dma_start3A_251 = tpu.memref_slice %arg5[%dma_start3A_241, %dma_start3A_250] : memref<2x1600xi32, #tpu.memory_space<vmem>> -> memref<1x1600xi32, #tpu.memory_space<vmem>>
          %dma_start3A_252 = tpu.memref_squeeze %dma_start3A_251 : memref<1x1600xi32, #tpu.memory_space<vmem>> -> memref<1600xi32, #tpu.memory_space<vmem>>
          %dma_start3A_253 = arith.constant 1152 : i32
          %dma_start3A_254 = tpu.memref_slice %dma_start3A_252[%dma_start3A_253] : memref<1600xi32, #tpu.memory_space<vmem>> -> memref<128xi32, #tpu.memory_space<vmem>>
          %dma_start3A_255 = arith.constant 0 : i32
          %dma_start3A_256 = arith.constant 0 : i32
          %dma_start3A_257 = tpu.memref_slice %arg3[%dma_start3A_255, %dma_start3A_256] : memref<1000000x32xf32, #tpu.memory_space<hbm>> -> memref<1000000x32xf32, #tpu.memory_space<hbm>>
          tpu.enqueue_indirect_dma source(%dma_start3A_257 : memref<1000000x32xf32, #tpu.memory_space<hbm>>) target(%dma_start3A_249 : memref<128x32xf32, #tpu.memory_space<vmem>>) offsets(%dma_start3A_254 : memref<128xi32, #tpu.memory_space<vmem>>) semaphore(%arg7 : memref<!tpu.dma_semaphore, #tpu.memory_space<semaphore_mem>>)
          %dma_start3A_258 = arith.constant 0 : i32
          %dma_start3A_259 = arith.constant 0 : i32
          %dma_start3A_260 = arith.constant 0 : i32
          %dma_start3A_261 = arith.constant 0 : i32
          %dma_start3A_262 = tpu.memref_slice %arg6[%dma_start3A_259, %dma_start3A_260, %dma_start3A_261] : memref<2x1600x32xf32, #tpu.memory_space<vmem>> -> memref<1x1600x32xf32, #tpu.memory_space<vmem>>
          %dma_start3A_263 = tpu.memref_squeeze %dma_start3A_262 : memref<1x1600x32xf32, #tpu.memory_space<vmem>> -> memref<1600x32xf32, #tpu.memory_space<vmem>>
          %dma_start3A_264 = arith.constant 1280 : i32
          %dma_start3A_265 = arith.constant 0 : i32
          %dma_start3A_266 = tpu.memref_slice %dma_start3A_263[%dma_start3A_264, %dma_start3A_265] : memref<1600x32xf32, #tpu.memory_space<vmem>> -> memref<128x32xf32, #tpu.memory_space<vmem>>
          %dma_start3A_267 = arith.constant 0 : i32
          %dma_start3A_268 = tpu.memref_slice %arg5[%dma_start3A_258, %dma_start3A_267] : memref<2x1600xi32, #tpu.memory_space<vmem>> -> memref<1x1600xi32, #tpu.memory_space<vmem>>
          %dma_start3A_269 = tpu.memref_squeeze %dma_start3A_268 : memref<1x1600xi32, #tpu.memory_space<vmem>> -> memref<1600xi32, #tpu.memory_space<vmem>>
          %dma_start3A_270 = arith.constant 1280 : i32
          %dma_start3A_271 = tpu.memref_slice %dma_start3A_269[%dma_start3A_270] : memref<1600xi32, #tpu.memory_space<vmem>> -> memref<128xi32, #tpu.memory_space<vmem>>
          %dma_start3A_272 = arith.constant 0 : i32
          %dma_start3A_273 = arith.constant 0 : i32
          %dma_start3A_274 = tpu.memref_slice %arg3[%dma_start3A_272, %dma_start3A_273] : memref<1000000x32xf32, #tpu.memory_space<hbm>> -> memref<1000000x32xf32, #tpu.memory_space<hbm>>
          tpu.enqueue_indirect_dma source(%dma_start3A_274 : memref<1000000x32xf32, #tpu.memory_space<hbm>>) target(%dma_start3A_266 : memref<128x32xf32, #tpu.memory_space<vmem>>) offsets(%dma_start3A_271 : memref<128xi32, #tpu.memory_space<vmem>>) semaphore(%arg7 : memref<!tpu.dma_semaphore, #tpu.memory_space<semaphore_mem>>)
          %dma_start3A_275 = arith.constant 0 : i32
          %dma_start3A_276 = arith.constant 0 : i32
          %dma_start3A_277 = arith.constant 0 : i32
          %dma_start3A_278 = arith.constant 0 : i32
          %dma_start3A_279 = tpu.memref_slice %arg6[%dma_start3A_276, %dma_start3A_277, %dma_start3A_278] : memref<2x1600x32xf32, #tpu.memory_space<vmem>> -> memref<1x1600x32xf32, #tpu.memory_space<vmem>>
          %dma_start3A_280 = tpu.memref_squeeze %dma_start3A_279 : memref<1x1600x32xf32, #tpu.memory_space<vmem>> -> memref<1600x32xf32, #tpu.memory_space<vmem>>
          %dma_start3A_281 = arith.constant 1408 : i32
          %dma_start3A_282 = arith.constant 0 : i32
          %dma_start3A_283 = tpu.memref_slice %dma_start3A_280[%dma_start3A_281, %dma_start3A_282] : memref<1600x32xf32, #tpu.memory_space<vmem>> -> memref<128x32xf32, #tpu.memory_space<vmem>>
          %dma_start3A_284 = arith.constant 0 : i32
          %dma_start3A_285 = tpu.memref_slice %arg5[%dma_start3A_275, %dma_start3A_284] : memref<2x1600xi32, #tpu.memory_space<vmem>> -> memref<1x1600xi32, #tpu.memory_space<vmem>>
          %dma_start3A_286 = tpu.memref_squeeze %dma_start3A_285 : memref<1x1600xi32, #tpu.memory_space<vmem>> -> memref<1600xi32, #tpu.memory_space<vmem>>
          %dma_start3A_287 = arith.constant 1408 : i32
          %dma_start3A_288 = tpu.memref_slice %dma_start3A_286[%dma_start3A_287] : memref<1600xi32, #tpu.memory_space<vmem>> -> memref<128xi32, #tpu.memory_space<vmem>>
          %dma_start3A_289 = arith.constant 0 : i32
          %dma_start3A_290 = arith.constant 0 : i32
          %dma_start3A_291 = tpu.memref_slice %arg3[%dma_start3A_289, %dma_start3A_290] : memref<1000000x32xf32, #tpu.memory_space<hbm>> -> memref<1000000x32xf32, #tpu.memory_space<hbm>>
          tpu.enqueue_indirect_dma source(%dma_start3A_291 : memref<1000000x32xf32, #tpu.memory_space<hbm>>) target(%dma_start3A_283 : memref<128x32xf32, #tpu.memory_space<vmem>>) offsets(%dma_start3A_288 : memref<128xi32, #tpu.memory_space<vmem>>) semaphore(%arg7 : memref<!tpu.dma_semaphore, #tpu.memory_space<semaphore_mem>>)
          %dma_start3A_292 = arith.constant 0 : i32
          %dma_start3A_293 = arith.constant 0 : i32
          %dma_start3A_294 = arith.constant 0 : i32
          %dma_start3A_295 = arith.constant 0 : i32
          %dma_start3A_296 = tpu.memref_slice %arg6[%dma_start3A_293, %dma_start3A_294, %dma_start3A_295] : memref<2x1600x32xf32, #tpu.memory_space<vmem>> -> memref<1x1600x32xf32, #tpu.memory_space<vmem>>
          %dma_start3A_297 = tpu.memref_squeeze %dma_start3A_296 : memref<1x1600x32xf32, #tpu.memory_space<vmem>> -> memref<1600x32xf32, #tpu.memory_space<vmem>>
          %dma_start3A_298 = arith.constant 1536 : i32
          %dma_start3A_299 = arith.constant 0 : i32
          %dma_start3A_300 = tpu.memref_slice %dma_start3A_297[%dma_start3A_298, %dma_start3A_299] : memref<1600x32xf32, #tpu.memory_space<vmem>> -> memref<64x32xf32, #tpu.memory_space<vmem>>
          %dma_start3A_301 = arith.constant 0 : i32
          %dma_start3A_302 = tpu.memref_slice %arg5[%dma_start3A_292, %dma_start3A_301] : memref<2x1600xi32, #tpu.memory_space<vmem>> -> memref<1x1600xi32, #tpu.memory_space<vmem>>
          %dma_start3A_303 = tpu.memref_squeeze %dma_start3A_302 : memref<1x1600xi32, #tpu.memory_space<vmem>> -> memref<1600xi32, #tpu.memory_space<vmem>>
          %dma_start3A_304 = arith.constant 1536 : i32
          %dma_start3A_305 = tpu.memref_slice %dma_start3A_303[%dma_start3A_304] : memref<1600xi32, #tpu.memory_space<vmem>> -> memref<64xi32, #tpu.memory_space<vmem>>
          %dma_start3A_306 = arith.constant 0 : i32
          %dma_start3A_307 = arith.constant 0 : i32
          %dma_start3A_308 = tpu.memref_slice %arg3[%dma_start3A_306, %dma_start3A_307] : memref<1000000x32xf32, #tpu.memory_space<hbm>> -> memref<1000000x32xf32, #tpu.memory_space<hbm>>
          tpu.enqueue_indirect_dma source(%dma_start3A_308 : memref<1000000x32xf32, #tpu.memory_space<hbm>>) target(%dma_start3A_300 : memref<64x32xf32, #tpu.memory_space<vmem>>) offsets(%dma_start3A_305 : memref<64xi32, #tpu.memory_space<vmem>>) semaphore(%arg7 : memref<!tpu.dma_semaphore, #tpu.memory_space<semaphore_mem>>)
        }
      } else {
      }
      %ge3A_72 = arith.constant 1 : i32
      %ge3A_73 = arith.cmpi sge, %scan3A_62, %ge3A_72 : i32
      %convert_element_type3A_74 = arith.extui %ge3A_73 : i1 to i32
      %cond3A_75 = arith.constant 0 : i32
      %cond3A_76 = arith.cmpi ne, %convert_element_type3A_74, %cond3A_75 : i32
      scf.if %cond3A_76 {
        %sub3A = arith.constant 1 : i32
        %sub3A_77 = arith.subi %scan3A_62, %sub3A : i32
        %rem3A_78 = arith.constant 2 : i32
        %rem3A_79 = arith.remsi %sub3A_77, %rem3A_78 : i32
        %clamp3A = arith.constant 0 : i32
        %clamp3A_80 = arith.constant 1 : i32
        %clamp3A_81 = arith.maxsi %rem3A_79, %clamp3A : i32
        %clamp3A_82 = arith.minsi %clamp3A_81, %clamp3A_80 : i32
        %cond3A_83 = arith.constant 0 : i32
        %cond3A_84 = arith.cmpi ne, %clamp3A_82, %cond3A_83 : i32
        scf.if %cond3A_84 {
          %dma_wait3A_98 = arith.constant 0 : i32
          %dma_wait3A_99 = arith.constant 0 : i32
          %dma_wait3A_100 = arith.constant 0 : i32
          %dma_wait3A_101 = tpu.memref_slice %arg6[%dma_wait3A_98, %dma_wait3A_99, %dma_wait3A_100] : memref<2x1600x32xf32, #tpu.memory_space<vmem>> -> memref<1x1600x32xf32, #tpu.memory_space<vmem>>
          %dma_wait3A_102 = tpu.memref_squeeze %dma_wait3A_101 : memref<1x1600x32xf32, #tpu.memory_space<vmem>> -> memref<1600x32xf32, #tpu.memory_space<vmem>>
          %dma_wait3A_103 = arith.constant 0 : i32
          %dma_wait3A_104 = arith.constant 0 : i32
          %dma_wait3A_105 = tpu.memref_slice %arg3[%dma_wait3A_103, %dma_wait3A_104] : memref<1000000x32xf32, #tpu.memory_space<hbm>> -> memref<1600x32xf32, #tpu.memory_space<hbm>>
          %dma_wait3A_106 = arith.constant 0 : i32
          %dma_wait3A_107 = arith.constant 0 : i32
          %dma_wait3A_108 = tpu.memref_slice %arg6[%dma_wait3A_98, %dma_wait3A_106, %dma_wait3A_107] : memref<2x1600x32xf32, #tpu.memory_space<vmem>> -> memref<1x1600x32xf32, #tpu.memory_space<vmem>>
          %dma_wait3A_109 = tpu.memref_squeeze %dma_wait3A_108 : memref<1x1600x32xf32, #tpu.memory_space<vmem>> -> memref<1600x32xf32, #tpu.memory_space<vmem>>
          %dma_wait3A_110 = arith.constant 0 : i32
          %dma_wait3A_111 = arith.constant 0 : i32
          %dma_wait3A_112 = tpu.memref_slice %arg3[%dma_wait3A_110, %dma_wait3A_111] : memref<1000000x32xf32, #tpu.memory_space<hbm>> -> memref<1600x32xf32, #tpu.memory_space<hbm>>
          tpu.wait_dma2 semaphore(%arg8 : memref<!tpu.dma_semaphore, #tpu.memory_space<semaphore_mem>>) src(%dma_wait3A_112 : memref<1600x32xf32, #tpu.memory_space<hbm>>) dst(%dma_wait3A_109 : memref<1600x32xf32, #tpu.memory_space<vmem>>)
        } else {
          %dma_wait3A_98 = arith.constant 0 : i32
          %dma_wait3A_99 = arith.constant 0 : i32
          %dma_wait3A_100 = arith.constant 0 : i32
          %dma_wait3A_101 = tpu.memref_slice %arg6[%dma_wait3A_98, %dma_wait3A_99, %dma_wait3A_100] : memref<2x1600x32xf32, #tpu.memory_space<vmem>> -> memref<1x1600x32xf32, #tpu.memory_space<vmem>>
          %dma_wait3A_102 = tpu.memref_squeeze %dma_wait3A_101 : memref<1x1600x32xf32, #tpu.memory_space<vmem>> -> memref<1600x32xf32, #tpu.memory_space<vmem>>
          %dma_wait3A_103 = arith.constant 0 : i32
          %dma_wait3A_104 = arith.constant 0 : i32
          %dma_wait3A_105 = tpu.memref_slice %arg3[%dma_wait3A_103, %dma_wait3A_104] : memref<1000000x32xf32, #tpu.memory_space<hbm>> -> memref<1600x32xf32, #tpu.memory_space<hbm>>
          %dma_wait3A_106 = arith.constant 0 : i32
          %dma_wait3A_107 = arith.constant 0 : i32
          %dma_wait3A_108 = tpu.memref_slice %arg6[%dma_wait3A_98, %dma_wait3A_106, %dma_wait3A_107] : memref<2x1600x32xf32, #tpu.memory_space<vmem>> -> memref<1x1600x32xf32, #tpu.memory_space<vmem>>
          %dma_wait3A_109 = tpu.memref_squeeze %dma_wait3A_108 : memref<1x1600x32xf32, #tpu.memory_space<vmem>> -> memref<1600x32xf32, #tpu.memory_space<vmem>>
          %dma_wait3A_110 = arith.constant 0 : i32
          %dma_wait3A_111 = arith.constant 0 : i32
          %dma_wait3A_112 = tpu.memref_slice %arg3[%dma_wait3A_110, %dma_wait3A_111] : memref<1000000x32xf32, #tpu.memory_space<hbm>> -> memref<1600x32xf32, #tpu.memory_space<hbm>>
          tpu.wait_dma2 semaphore(%arg7 : memref<!tpu.dma_semaphore, #tpu.memory_space<semaphore_mem>>) src(%dma_wait3A_112 : memref<1600x32xf32, #tpu.memory_space<hbm>>) dst(%dma_wait3A_109 : memref<1600x32xf32, #tpu.memory_space<vmem>>)
        }
        %add3A_85 = arith.constant 1 : i32
        %add3A_86 = arith.addi %scan3A_62, %add3A_85 : i32
        %lt3A_87 = arith.constant 64 : i32
        %lt3A_88 = arith.cmpi slt, %add3A_86, %lt3A_87 : i32
        %convert_element_type3A_89 = arith.extui %lt3A_88 : i1 to i32
        %cond3A_90 = arith.constant 0 : i32
        %cond3A_91 = arith.cmpi ne, %convert_element_type3A_89, %cond3A_90 : i32
        scf.if %cond3A_91 {
          %clamp3A_98 = arith.constant 0 : i32
          %clamp3A_99 = arith.constant 1 : i32
          %clamp3A_100 = arith.maxsi %rem3A_79, %clamp3A_98 : i32
          %clamp3A_101 = arith.minsi %clamp3A_100, %clamp3A_99 : i32
          %cond3A_102 = arith.constant 0 : i32
          %cond3A_103 = arith.cmpi ne, %clamp3A_101, %cond3A_102 : i32
          scf.if %cond3A_103 {
            %add3A_104 = arith.constant 1 : i32
            %add3A_105 = arith.addi %scan3A_62, %add3A_104 : i32
            %mul3A_106 = arith.constant 1600 : i32
            %mul3A_107 = arith.muli %add3A_105, %mul3A_106 : i32
            %add3A_108 = arith.addi %mul3A_4, %mul3A_107 : i32
            %dma_start3A_109 = arith.constant 1 : i32
            %dma_start3A_110 = arith.constant 0 : i32
            %dma_start3A_111 = tpu.memref_slice %arg5[%dma_start3A_109, %dma_start3A_110] : memref<2x1600xi32, #tpu.memory_space<vmem>> -> memref<1x1600xi32, #tpu.memory_space<vmem>>
            %dma_start3A_112 = tpu.memref_squeeze %dma_start3A_111 : memref<1x1600xi32, #tpu.memory_space<vmem>> -> memref<1600xi32, #tpu.memory_space<vmem>>
            %dma_start3A_113 = tpu.memref_slice %arg2[%add3A_108] : memref<3276800xi32, #tpu.memory_space<hbm>> -> memref<1600xi32, #tpu.memory_space<hbm>>
            %dma_start3A_114 = arith.constant 0 : i32
            %dma_start3A_115 = tpu.memref_slice %arg5[%dma_start3A_109, %dma_start3A_114] : memref<2x1600xi32, #tpu.memory_space<vmem>> -> memref<1x1600xi32, #tpu.memory_space<vmem>>
            %dma_start3A_116 = tpu.memref_squeeze %dma_start3A_115 : memref<1x1600xi32, #tpu.memory_space<vmem>> -> memref<1600xi32, #tpu.memory_space<vmem>>
            %dma_start3A_117 = tpu.memref_slice %arg2[%add3A_108] : memref<3276800xi32, #tpu.memory_space<hbm>> -> memref<1600xi32, #tpu.memory_space<hbm>>
            tpu.enqueue_dma source(%dma_start3A_117 : memref<1600xi32, #tpu.memory_space<hbm>>) target(%dma_start3A_116 : memref<1600xi32, #tpu.memory_space<vmem>>) target_semaphore(%arg12 : memref<!tpu.dma_semaphore, #tpu.memory_space<semaphore_mem>>)
          } else {
            %add3A_104 = arith.constant 1 : i32
            %add3A_105 = arith.addi %scan3A_62, %add3A_104 : i32
            %mul3A_106 = arith.constant 1600 : i32
            %mul3A_107 = arith.muli %add3A_105, %mul3A_106 : i32
            %add3A_108 = arith.addi %mul3A_4, %mul3A_107 : i32
            %dma_start3A_109 = arith.constant 0 : i32
            %dma_start3A_110 = arith.constant 0 : i32
            %dma_start3A_111 = tpu.memref_slice %arg5[%dma_start3A_109, %dma_start3A_110] : memref<2x1600xi32, #tpu.memory_space<vmem>> -> memref<1x1600xi32, #tpu.memory_space<vmem>>
            %dma_start3A_112 = tpu.memref_squeeze %dma_start3A_111 : memref<1x1600xi32, #tpu.memory_space<vmem>> -> memref<1600xi32, #tpu.memory_space<vmem>>
            %dma_start3A_113 = tpu.memref_slice %arg2[%add3A_108] : memref<3276800xi32, #tpu.memory_space<hbm>> -> memref<1600xi32, #tpu.memory_space<hbm>>
            %dma_start3A_114 = arith.constant 0 : i32
            %dma_start3A_115 = tpu.memref_slice %arg5[%dma_start3A_109, %dma_start3A_114] : memref<2x1600xi32, #tpu.memory_space<vmem>> -> memref<1x1600xi32, #tpu.memory_space<vmem>>
            %dma_start3A_116 = tpu.memref_squeeze %dma_start3A_115 : memref<1x1600xi32, #tpu.memory_space<vmem>> -> memref<1600xi32, #tpu.memory_space<vmem>>
            %dma_start3A_117 = tpu.memref_slice %arg2[%add3A_108] : memref<3276800xi32, #tpu.memory_space<hbm>> -> memref<1600xi32, #tpu.memory_space<hbm>>
            tpu.enqueue_dma source(%dma_start3A_117 : memref<1600xi32, #tpu.memory_space<hbm>>) target(%dma_start3A_116 : memref<1600xi32, #tpu.memory_space<vmem>>) target_semaphore(%arg11 : memref<!tpu.dma_semaphore, #tpu.memory_space<semaphore_mem>>)
          }
        } else {
        }
        %clamp3A_92 = arith.constant 0 : i32
        %clamp3A_93 = arith.constant 1 : i32
        %clamp3A_94 = arith.maxsi %rem3A_79, %clamp3A_92 : i32
        %clamp3A_95 = arith.minsi %clamp3A_94, %clamp3A_93 : i32
        %cond3A_96 = arith.constant 0 : i32
        %cond3A_97 = arith.cmpi ne, %clamp3A_95, %cond3A_96 : i32
        scf.if %cond3A_97 {
          %sub3A_98 = arith.constant 1 : i32
          %sub3A_99 = arith.subi %scan3A_62, %sub3A_98 : i32
          %mul3A_100 = arith.constant 8 : i32
          %mul3A_101 = arith.muli %sub3A_99, %mul3A_100 : i32
          %add3A_102 = arith.addi %mul3A_6, %mul3A_101 : i32
          %add3A_103 = arith.constant 0 : i32
          %add3A_104 = arith.addi %add3A_102, %add3A_103 : i32
          %dma_start3A_105 = arith.constant 1 : i32
          %dma_start3A_106 = arith.constant 0 : i32
          %dma_start3A_107 = arith.constant 0 : i32
          %dma_start3A_108 = tpu.memref_slice %arg6[%dma_start3A_105, %dma_start3A_106, %dma_start3A_107] : memref<2x1600x32xf32, #tpu.memory_space<vmem>> -> memref<1x1600x32xf32, #tpu.memory_space<vmem>>
          %dma_start3A_109 = tpu.memref_squeeze %dma_start3A_108 : memref<1x1600x32xf32, #tpu.memory_space<vmem>> -> memref<1600x32xf32, #tpu.memory_space<vmem>>
          %dma_start3A_110 = arith.constant 0 : i32
          %dma_start3A_111 = arith.constant 0 : i32
          %dma_start3A_112 = tpu.memref_slice %dma_start3A_109[%dma_start3A_110, %dma_start3A_111] : memref<1600x32xf32, #tpu.memory_space<vmem>> -> memref<200x32xf32, #tpu.memory_space<vmem>>
          %dma_start3A_113 = arith.constant 0 : i32
          %dma_start3A_114 = arith.constant 0 : i32
          %dma_start3A_115 = tpu.memref_slice %arg4[%add3A_104, %dma_start3A_113, %dma_start3A_114] : memref<16384x200x128xf32, #tpu.memory_space<hbm>> -> memref<1x200x128xf32, #tpu.memory_space<hbm>>
          %dma_start3A_116 = tpu.memref_squeeze %dma_start3A_115 : memref<1x200x128xf32, #tpu.memory_space<hbm>> -> memref<200x128xf32, #tpu.memory_space<hbm>>
          %dma_start3A_117 = arith.constant 0 : i32
          %dma_start3A_118 = arith.constant 0 : i32
          %dma_start3A_119 = tpu.memref_slice %dma_start3A_116[%dma_start3A_117, %dma_start3A_118] : memref<200x128xf32, #tpu.memory_space<hbm>> -> memref<200x32xf32, #tpu.memory_space<hbm>>
          %dma_start3A_120 = arith.constant 0 : i32
          %dma_start3A_121 = arith.constant 0 : i32
          %dma_start3A_122 = tpu.memref_slice %arg4[%add3A_104, %dma_start3A_120, %dma_start3A_121] : memref<16384x200x128xf32, #tpu.memory_space<hbm>> -> memref<1x200x128xf32, #tpu.memory_space<hbm>>
          %dma_start3A_123 = tpu.memref_squeeze %dma_start3A_122 : memref<1x200x128xf32, #tpu.memory_space<hbm>> -> memref<200x128xf32, #tpu.memory_space<hbm>>
          %dma_start3A_124 = arith.constant 0 : i32
          %dma_start3A_125 = arith.constant 0 : i32
          %dma_start3A_126 = tpu.memref_slice %dma_start3A_123[%dma_start3A_124, %dma_start3A_125] : memref<200x128xf32, #tpu.memory_space<hbm>> -> memref<200x32xf32, #tpu.memory_space<hbm>>
          %dma_start3A_127 = arith.constant 0 : i32
          %dma_start3A_128 = arith.constant 0 : i32
          %dma_start3A_129 = tpu.memref_slice %arg6[%dma_start3A_105, %dma_start3A_127, %dma_start3A_128] : memref<2x1600x32xf32, #tpu.memory_space<vmem>> -> memref<1x1600x32xf32, #tpu.memory_space<vmem>>
          %dma_start3A_130 = tpu.memref_squeeze %dma_start3A_129 : memref<1x1600x32xf32, #tpu.memory_space<vmem>> -> memref<1600x32xf32, #tpu.memory_space<vmem>>
          %dma_start3A_131 = arith.constant 0 : i32
          %dma_start3A_132 = arith.constant 0 : i32
          %dma_start3A_133 = tpu.memref_slice %dma_start3A_130[%dma_start3A_131, %dma_start3A_132] : memref<1600x32xf32, #tpu.memory_space<vmem>> -> memref<200x32xf32, #tpu.memory_space<vmem>>
          tpu.enqueue_dma source(%dma_start3A_133 : memref<200x32xf32, #tpu.memory_space<vmem>>) target(%dma_start3A_126 : memref<200x32xf32, #tpu.memory_space<hbm>>) target_semaphore(%arg10 : memref<!tpu.dma_semaphore, #tpu.memory_space<semaphore_mem>>)
          %mul3A_134 = arith.constant 8 : i32
          %mul3A_135 = arith.muli %sub3A_99, %mul3A_134 : i32
          %add3A_136 = arith.addi %mul3A_6, %mul3A_135 : i32
          %add3A_137 = arith.constant 1 : i32
          %add3A_138 = arith.addi %add3A_136, %add3A_137 : i32
          %dma_start3A_139 = arith.constant 1 : i32
          %dma_start3A_140 = arith.constant 0 : i32
          %dma_start3A_141 = arith.constant 0 : i32
          %dma_start3A_142 = tpu.memref_slice %arg6[%dma_start3A_139, %dma_start3A_140, %dma_start3A_141] : memref<2x1600x32xf32, #tpu.memory_space<vmem>> -> memref<1x1600x32xf32, #tpu.memory_space<vmem>>
          %dma_start3A_143 = tpu.memref_squeeze %dma_start3A_142 : memref<1x1600x32xf32, #tpu.memory_space<vmem>> -> memref<1600x32xf32, #tpu.memory_space<vmem>>
          %dma_start3A_144 = arith.constant 200 : i32
          %dma_start3A_145 = arith.constant 0 : i32
          %dma_start3A_146 = tpu.memref_slice %dma_start3A_143[%dma_start3A_144, %dma_start3A_145] : memref<1600x32xf32, #tpu.memory_space<vmem>> -> memref<200x32xf32, #tpu.memory_space<vmem>>
          %dma_start3A_147 = arith.constant 0 : i32
          %dma_start3A_148 = arith.constant 0 : i32
          %dma_start3A_149 = tpu.memref_slice %arg4[%add3A_138, %dma_start3A_147, %dma_start3A_148] : memref<16384x200x128xf32, #tpu.memory_space<hbm>> -> memref<1x200x128xf32, #tpu.memory_space<hbm>>
          %dma_start3A_150 = tpu.memref_squeeze %dma_start3A_149 : memref<1x200x128xf32, #tpu.memory_space<hbm>> -> memref<200x128xf32, #tpu.memory_space<hbm>>
          %dma_start3A_151 = arith.constant 0 : i32
          %dma_start3A_152 = arith.constant 0 : i32
          %dma_start3A_153 = tpu.memref_slice %dma_start3A_150[%dma_start3A_151, %dma_start3A_152] : memref<200x128xf32, #tpu.memory_space<hbm>> -> memref<200x32xf32, #tpu.memory_space<hbm>>
          %dma_start3A_154 = arith.constant 0 : i32
          %dma_start3A_155 = arith.constant 0 : i32
          %dma_start3A_156 = tpu.memref_slice %arg4[%add3A_138, %dma_start3A_154, %dma_start3A_155] : memref<16384x200x128xf32, #tpu.memory_space<hbm>> -> memref<1x200x128xf32, #tpu.memory_space<hbm>>
          %dma_start3A_157 = tpu.memref_squeeze %dma_start3A_156 : memref<1x200x128xf32, #tpu.memory_space<hbm>> -> memref<200x128xf32, #tpu.memory_space<hbm>>
          %dma_start3A_158 = arith.constant 0 : i32
          %dma_start3A_159 = arith.constant 0 : i32
          %dma_start3A_160 = tpu.memref_slice %dma_start3A_157[%dma_start3A_158, %dma_start3A_159] : memref<200x128xf32, #tpu.memory_space<hbm>> -> memref<200x32xf32, #tpu.memory_space<hbm>>
          %dma_start3A_161 = arith.constant 0 : i32
          %dma_start3A_162 = arith.constant 0 : i32
          %dma_start3A_163 = tpu.memref_slice %arg6[%dma_start3A_139, %dma_start3A_161, %dma_start3A_162] : memref<2x1600x32xf32, #tpu.memory_space<vmem>> -> memref<1x1600x32xf32, #tpu.memory_space<vmem>>
          %dma_start3A_164 = tpu.memref_squeeze %dma_start3A_163 : memref<1x1600x32xf32, #tpu.memory_space<vmem>> -> memref<1600x32xf32, #tpu.memory_space<vmem>>
          %dma_start3A_165 = arith.constant 200 : i32
          %dma_start3A_166 = arith.constant 0 : i32
          %dma_start3A_167 = tpu.memref_slice %dma_start3A_164[%dma_start3A_165, %dma_start3A_166] : memref<1600x32xf32, #tpu.memory_space<vmem>> -> memref<200x32xf32, #tpu.memory_space<vmem>>
          tpu.enqueue_dma source(%dma_start3A_167 : memref<200x32xf32, #tpu.memory_space<vmem>>) target(%dma_start3A_160 : memref<200x32xf32, #tpu.memory_space<hbm>>) target_semaphore(%arg10 : memref<!tpu.dma_semaphore, #tpu.memory_space<semaphore_mem>>)
          %mul3A_168 = arith.constant 8 : i32
          %mul3A_169 = arith.muli %sub3A_99, %mul3A_168 : i32
          %add3A_170 = arith.addi %mul3A_6, %mul3A_169 : i32
          %add3A_171 = arith.constant 2 : i32
          %add3A_172 = arith.addi %add3A_170, %add3A_171 : i32
          %dma_start3A_173 = arith.constant 1 : i32
          %dma_start3A_174 = arith.constant 0 : i32
          %dma_start3A_175 = arith.constant 0 : i32
          %dma_start3A_176 = tpu.memref_slice %arg6[%dma_start3A_173, %dma_start3A_174, %dma_start3A_175] : memref<2x1600x32xf32, #tpu.memory_space<vmem>> -> memref<1x1600x32xf32, #tpu.memory_space<vmem>>
          %dma_start3A_177 = tpu.memref_squeeze %dma_start3A_176 : memref<1x1600x32xf32, #tpu.memory_space<vmem>> -> memref<1600x32xf32, #tpu.memory_space<vmem>>
          %dma_start3A_178 = arith.constant 400 : i32
          %dma_start3A_179 = arith.constant 0 : i32
          %dma_start3A_180 = tpu.memref_slice %dma_start3A_177[%dma_start3A_178, %dma_start3A_179] : memref<1600x32xf32, #tpu.memory_space<vmem>> -> memref<200x32xf32, #tpu.memory_space<vmem>>
          %dma_start3A_181 = arith.constant 0 : i32
          %dma_start3A_182 = arith.constant 0 : i32
          %dma_start3A_183 = tpu.memref_slice %arg4[%add3A_172, %dma_start3A_181, %dma_start3A_182] : memref<16384x200x128xf32, #tpu.memory_space<hbm>> -> memref<1x200x128xf32, #tpu.memory_space<hbm>>
          %dma_start3A_184 = tpu.memref_squeeze %dma_start3A_183 : memref<1x200x128xf32, #tpu.memory_space<hbm>> -> memref<200x128xf32, #tpu.memory_space<hbm>>
          %dma_start3A_185 = arith.constant 0 : i32
          %dma_start3A_186 = arith.constant 0 : i32
          %dma_start3A_187 = tpu.memref_slice %dma_start3A_184[%dma_start3A_185, %dma_start3A_186] : memref<200x128xf32, #tpu.memory_space<hbm>> -> memref<200x32xf32, #tpu.memory_space<hbm>>
          %dma_start3A_188 = arith.constant 0 : i32
          %dma_start3A_189 = arith.constant 0 : i32
          %dma_start3A_190 = tpu.memref_slice %arg4[%add3A_172, %dma_start3A_188, %dma_start3A_189] : memref<16384x200x128xf32, #tpu.memory_space<hbm>> -> memref<1x200x128xf32, #tpu.memory_space<hbm>>
          %dma_start3A_191 = tpu.memref_squeeze %dma_start3A_190 : memref<1x200x128xf32, #tpu.memory_space<hbm>> -> memref<200x128xf32, #tpu.memory_space<hbm>>
          %dma_start3A_192 = arith.constant 0 : i32
          %dma_start3A_193 = arith.constant 0 : i32
          %dma_start3A_194 = tpu.memref_slice %dma_start3A_191[%dma_start3A_192, %dma_start3A_193] : memref<200x128xf32, #tpu.memory_space<hbm>> -> memref<200x32xf32, #tpu.memory_space<hbm>>
          %dma_start3A_195 = arith.constant 0 : i32
          %dma_start3A_196 = arith.constant 0 : i32
          %dma_start3A_197 = tpu.memref_slice %arg6[%dma_start3A_173, %dma_start3A_195, %dma_start3A_196] : memref<2x1600x32xf32, #tpu.memory_space<vmem>> -> memref<1x1600x32xf32, #tpu.memory_space<vmem>>
          %dma_start3A_198 = tpu.memref_squeeze %dma_start3A_197 : memref<1x1600x32xf32, #tpu.memory_space<vmem>> -> memref<1600x32xf32, #tpu.memory_space<vmem>>
          %dma_start3A_199 = arith.constant 400 : i32
          %dma_start3A_200 = arith.constant 0 : i32
          %dma_start3A_201 = tpu.memref_slice %dma_start3A_198[%dma_start3A_199, %dma_start3A_200] : memref<1600x32xf32, #tpu.memory_space<vmem>> -> memref<200x32xf32, #tpu.memory_space<vmem>>
          tpu.enqueue_dma source(%dma_start3A_201 : memref<200x32xf32, #tpu.memory_space<vmem>>) target(%dma_start3A_194 : memref<200x32xf32, #tpu.memory_space<hbm>>) target_semaphore(%arg10 : memref<!tpu.dma_semaphore, #tpu.memory_space<semaphore_mem>>)
          %mul3A_202 = arith.constant 8 : i32
          %mul3A_203 = arith.muli %sub3A_99, %mul3A_202 : i32
          %add3A_204 = arith.addi %mul3A_6, %mul3A_203 : i32
          %add3A_205 = arith.constant 3 : i32
          %add3A_206 = arith.addi %add3A_204, %add3A_205 : i32
          %dma_start3A_207 = arith.constant 1 : i32
          %dma_start3A_208 = arith.constant 0 : i32
          %dma_start3A_209 = arith.constant 0 : i32
          %dma_start3A_210 = tpu.memref_slice %arg6[%dma_start3A_207, %dma_start3A_208, %dma_start3A_209] : memref<2x1600x32xf32, #tpu.memory_space<vmem>> -> memref<1x1600x32xf32, #tpu.memory_space<vmem>>
          %dma_start3A_211 = tpu.memref_squeeze %dma_start3A_210 : memref<1x1600x32xf32, #tpu.memory_space<vmem>> -> memref<1600x32xf32, #tpu.memory_space<vmem>>
          %dma_start3A_212 = arith.constant 600 : i32
          %dma_start3A_213 = arith.constant 0 : i32
          %dma_start3A_214 = tpu.memref_slice %dma_start3A_211[%dma_start3A_212, %dma_start3A_213] : memref<1600x32xf32, #tpu.memory_space<vmem>> -> memref<200x32xf32, #tpu.memory_space<vmem>>
          %dma_start3A_215 = arith.constant 0 : i32
          %dma_start3A_216 = arith.constant 0 : i32
          %dma_start3A_217 = tpu.memref_slice %arg4[%add3A_206, %dma_start3A_215, %dma_start3A_216] : memref<16384x200x128xf32, #tpu.memory_space<hbm>> -> memref<1x200x128xf32, #tpu.memory_space<hbm>>
          %dma_start3A_218 = tpu.memref_squeeze %dma_start3A_217 : memref<1x200x128xf32, #tpu.memory_space<hbm>> -> memref<200x128xf32, #tpu.memory_space<hbm>>
          %dma_start3A_219 = arith.constant 0 : i32
          %dma_start3A_220 = arith.constant 0 : i32
          %dma_start3A_221 = tpu.memref_slice %dma_start3A_218[%dma_start3A_219, %dma_start3A_220] : memref<200x128xf32, #tpu.memory_space<hbm>> -> memref<200x32xf32, #tpu.memory_space<hbm>>
          %dma_start3A_222 = arith.constant 0 : i32
          %dma_start3A_223 = arith.constant 0 : i32
          %dma_start3A_224 = tpu.memref_slice %arg4[%add3A_206, %dma_start3A_222, %dma_start3A_223] : memref<16384x200x128xf32, #tpu.memory_space<hbm>> -> memref<1x200x128xf32, #tpu.memory_space<hbm>>
          %dma_start3A_225 = tpu.memref_squeeze %dma_start3A_224 : memref<1x200x128xf32, #tpu.memory_space<hbm>> -> memref<200x128xf32, #tpu.memory_space<hbm>>
          %dma_start3A_226 = arith.constant 0 : i32
          %dma_start3A_227 = arith.constant 0 : i32
          %dma_start3A_228 = tpu.memref_slice %dma_start3A_225[%dma_start3A_226, %dma_start3A_227] : memref<200x128xf32, #tpu.memory_space<hbm>> -> memref<200x32xf32, #tpu.memory_space<hbm>>
          %dma_start3A_229 = arith.constant 0 : i32
          %dma_start3A_230 = arith.constant 0 : i32
          %dma_start3A_231 = tpu.memref_slice %arg6[%dma_start3A_207, %dma_start3A_229, %dma_start3A_230] : memref<2x1600x32xf32, #tpu.memory_space<vmem>> -> memref<1x1600x32xf32, #tpu.memory_space<vmem>>
          %dma_start3A_232 = tpu.memref_squeeze %dma_start3A_231 : memref<1x1600x32xf32, #tpu.memory_space<vmem>> -> memref<1600x32xf32, #tpu.memory_space<vmem>>
          %dma_start3A_233 = arith.constant 600 : i32
          %dma_start3A_234 = arith.constant 0 : i32
          %dma_start3A_235 = tpu.memref_slice %dma_start3A_232[%dma_start3A_233, %dma_start3A_234] : memref<1600x32xf32, #tpu.memory_space<vmem>> -> memref<200x32xf32, #tpu.memory_space<vmem>>
          tpu.enqueue_dma source(%dma_start3A_235 : memref<200x32xf32, #tpu.memory_space<vmem>>) target(%dma_start3A_228 : memref<200x32xf32, #tpu.memory_space<hbm>>) target_semaphore(%arg10 : memref<!tpu.dma_semaphore, #tpu.memory_space<semaphore_mem>>)
          %mul3A_236 = arith.constant 8 : i32
          %mul3A_237 = arith.muli %sub3A_99, %mul3A_236 : i32
          %add3A_238 = arith.addi %mul3A_6, %mul3A_237 : i32
          %add3A_239 = arith.constant 4 : i32
          %add3A_240 = arith.addi %add3A_238, %add3A_239 : i32
          %dma_start3A_241 = arith.constant 1 : i32
          %dma_start3A_242 = arith.constant 0 : i32
          %dma_start3A_243 = arith.constant 0 : i32
          %dma_start3A_244 = tpu.memref_slice %arg6[%dma_start3A_241, %dma_start3A_242, %dma_start3A_243] : memref<2x1600x32xf32, #tpu.memory_space<vmem>> -> memref<1x1600x32xf32, #tpu.memory_space<vmem>>
          %dma_start3A_245 = tpu.memref_squeeze %dma_start3A_244 : memref<1x1600x32xf32, #tpu.memory_space<vmem>> -> memref<1600x32xf32, #tpu.memory_space<vmem>>
          %dma_start3A_246 = arith.constant 800 : i32
          %dma_start3A_247 = arith.constant 0 : i32
          %dma_start3A_248 = tpu.memref_slice %dma_start3A_245[%dma_start3A_246, %dma_start3A_247] : memref<1600x32xf32, #tpu.memory_space<vmem>> -> memref<200x32xf32, #tpu.memory_space<vmem>>
          %dma_start3A_249 = arith.constant 0 : i32
          %dma_start3A_250 = arith.constant 0 : i32
          %dma_start3A_251 = tpu.memref_slice %arg4[%add3A_240, %dma_start3A_249, %dma_start3A_250] : memref<16384x200x128xf32, #tpu.memory_space<hbm>> -> memref<1x200x128xf32, #tpu.memory_space<hbm>>
          %dma_start3A_252 = tpu.memref_squeeze %dma_start3A_251 : memref<1x200x128xf32, #tpu.memory_space<hbm>> -> memref<200x128xf32, #tpu.memory_space<hbm>>
          %dma_start3A_253 = arith.constant 0 : i32
          %dma_start3A_254 = arith.constant 0 : i32
          %dma_start3A_255 = tpu.memref_slice %dma_start3A_252[%dma_start3A_253, %dma_start3A_254] : memref<200x128xf32, #tpu.memory_space<hbm>> -> memref<200x32xf32, #tpu.memory_space<hbm>>
          %dma_start3A_256 = arith.constant 0 : i32
          %dma_start3A_257 = arith.constant 0 : i32
          %dma_start3A_258 = tpu.memref_slice %arg4[%add3A_240, %dma_start3A_256, %dma_start3A_257] : memref<16384x200x128xf32, #tpu.memory_space<hbm>> -> memref<1x200x128xf32, #tpu.memory_space<hbm>>
          %dma_start3A_259 = tpu.memref_squeeze %dma_start3A_258 : memref<1x200x128xf32, #tpu.memory_space<hbm>> -> memref<200x128xf32, #tpu.memory_space<hbm>>
          %dma_start3A_260 = arith.constant 0 : i32
          %dma_start3A_261 = arith.constant 0 : i32
          %dma_start3A_262 = tpu.memref_slice %dma_start3A_259[%dma_start3A_260, %dma_start3A_261] : memref<200x128xf32, #tpu.memory_space<hbm>> -> memref<200x32xf32, #tpu.memory_space<hbm>>
          %dma_start3A_263 = arith.constant 0 : i32
          %dma_start3A_264 = arith.constant 0 : i32
          %dma_start3A_265 = tpu.memref_slice %arg6[%dma_start3A_241, %dma_start3A_263, %dma_start3A_264] : memref<2x1600x32xf32, #tpu.memory_space<vmem>> -> memref<1x1600x32xf32, #tpu.memory_space<vmem>>
          %dma_start3A_266 = tpu.memref_squeeze %dma_start3A_265 : memref<1x1600x32xf32, #tpu.memory_space<vmem>> -> memref<1600x32xf32, #tpu.memory_space<vmem>>
          %dma_start3A_267 = arith.constant 800 : i32
          %dma_start3A_268 = arith.constant 0 : i32
          %dma_start3A_269 = tpu.memref_slice %dma_start3A_266[%dma_start3A_267, %dma_start3A_268] : memref<1600x32xf32, #tpu.memory_space<vmem>> -> memref<200x32xf32, #tpu.memory_space<vmem>>
          tpu.enqueue_dma source(%dma_start3A_269 : memref<200x32xf32, #tpu.memory_space<vmem>>) target(%dma_start3A_262 : memref<200x32xf32, #tpu.memory_space<hbm>>) target_semaphore(%arg10 : memref<!tpu.dma_semaphore, #tpu.memory_space<semaphore_mem>>)
          %mul3A_270 = arith.constant 8 : i32
          %mul3A_271 = arith.muli %sub3A_99, %mul3A_270 : i32
          %add3A_272 = arith.addi %mul3A_6, %mul3A_271 : i32
          %add3A_273 = arith.constant 5 : i32
          %add3A_274 = arith.addi %add3A_272, %add3A_273 : i32
          %dma_start3A_275 = arith.constant 1 : i32
          %dma_start3A_276 = arith.constant 0 : i32
          %dma_start3A_277 = arith.constant 0 : i32
          %dma_start3A_278 = tpu.memref_slice %arg6[%dma_start3A_275, %dma_start3A_276, %dma_start3A_277] : memref<2x1600x32xf32, #tpu.memory_space<vmem>> -> memref<1x1600x32xf32, #tpu.memory_space<vmem>>
          %dma_start3A_279 = tpu.memref_squeeze %dma_start3A_278 : memref<1x1600x32xf32, #tpu.memory_space<vmem>> -> memref<1600x32xf32, #tpu.memory_space<vmem>>
          %dma_start3A_280 = arith.constant 1000 : i32
          %dma_start3A_281 = arith.constant 0 : i32
          %dma_start3A_282 = tpu.memref_slice %dma_start3A_279[%dma_start3A_280, %dma_start3A_281] : memref<1600x32xf32, #tpu.memory_space<vmem>> -> memref<200x32xf32, #tpu.memory_space<vmem>>
          %dma_start3A_283 = arith.constant 0 : i32
          %dma_start3A_284 = arith.constant 0 : i32
          %dma_start3A_285 = tpu.memref_slice %arg4[%add3A_274, %dma_start3A_283, %dma_start3A_284] : memref<16384x200x128xf32, #tpu.memory_space<hbm>> -> memref<1x200x128xf32, #tpu.memory_space<hbm>>
          %dma_start3A_286 = tpu.memref_squeeze %dma_start3A_285 : memref<1x200x128xf32, #tpu.memory_space<hbm>> -> memref<200x128xf32, #tpu.memory_space<hbm>>
          %dma_start3A_287 = arith.constant 0 : i32
          %dma_start3A_288 = arith.constant 0 : i32
          %dma_start3A_289 = tpu.memref_slice %dma_start3A_286[%dma_start3A_287, %dma_start3A_288] : memref<200x128xf32, #tpu.memory_space<hbm>> -> memref<200x32xf32, #tpu.memory_space<hbm>>
          %dma_start3A_290 = arith.constant 0 : i32
          %dma_start3A_291 = arith.constant 0 : i32
          %dma_start3A_292 = tpu.memref_slice %arg4[%add3A_274, %dma_start3A_290, %dma_start3A_291] : memref<16384x200x128xf32, #tpu.memory_space<hbm>> -> memref<1x200x128xf32, #tpu.memory_space<hbm>>
          %dma_start3A_293 = tpu.memref_squeeze %dma_start3A_292 : memref<1x200x128xf32, #tpu.memory_space<hbm>> -> memref<200x128xf32, #tpu.memory_space<hbm>>
          %dma_start3A_294 = arith.constant 0 : i32
          %dma_start3A_295 = arith.constant 0 : i32
          %dma_start3A_296 = tpu.memref_slice %dma_start3A_293[%dma_start3A_294, %dma_start3A_295] : memref<200x128xf32, #tpu.memory_space<hbm>> -> memref<200x32xf32, #tpu.memory_space<hbm>>
          %dma_start3A_297 = arith.constant 0 : i32
          %dma_start3A_298 = arith.constant 0 : i32
          %dma_start3A_299 = tpu.memref_slice %arg6[%dma_start3A_275, %dma_start3A_297, %dma_start3A_298] : memref<2x1600x32xf32, #tpu.memory_space<vmem>> -> memref<1x1600x32xf32, #tpu.memory_space<vmem>>
          %dma_start3A_300 = tpu.memref_squeeze %dma_start3A_299 : memref<1x1600x32xf32, #tpu.memory_space<vmem>> -> memref<1600x32xf32, #tpu.memory_space<vmem>>
          %dma_start3A_301 = arith.constant 1000 : i32
          %dma_start3A_302 = arith.constant 0 : i32
          %dma_start3A_303 = tpu.memref_slice %dma_start3A_300[%dma_start3A_301, %dma_start3A_302] : memref<1600x32xf32, #tpu.memory_space<vmem>> -> memref<200x32xf32, #tpu.memory_space<vmem>>
          tpu.enqueue_dma source(%dma_start3A_303 : memref<200x32xf32, #tpu.memory_space<vmem>>) target(%dma_start3A_296 : memref<200x32xf32, #tpu.memory_space<hbm>>) target_semaphore(%arg10 : memref<!tpu.dma_semaphore, #tpu.memory_space<semaphore_mem>>)
          %mul3A_304 = arith.constant 8 : i32
          %mul3A_305 = arith.muli %sub3A_99, %mul3A_304 : i32
          %add3A_306 = arith.addi %mul3A_6, %mul3A_305 : i32
          %add3A_307 = arith.constant 6 : i32
          %add3A_308 = arith.addi %add3A_306, %add3A_307 : i32
          %dma_start3A_309 = arith.constant 1 : i32
          %dma_start3A_310 = arith.constant 0 : i32
          %dma_start3A_311 = arith.constant 0 : i32
          %dma_start3A_312 = tpu.memref_slice %arg6[%dma_start3A_309, %dma_start3A_310, %dma_start3A_311] : memref<2x1600x32xf32, #tpu.memory_space<vmem>> -> memref<1x1600x32xf32, #tpu.memory_space<vmem>>
          %dma_start3A_313 = tpu.memref_squeeze %dma_start3A_312 : memref<1x1600x32xf32, #tpu.memory_space<vmem>> -> memref<1600x32xf32, #tpu.memory_space<vmem>>
          %dma_start3A_314 = arith.constant 1200 : i32
          %dma_start3A_315 = arith.constant 0 : i32
          %dma_start3A_316 = tpu.memref_slice %dma_start3A_313[%dma_start3A_314, %dma_start3A_315] : memref<1600x32xf32, #tpu.memory_space<vmem>> -> memref<200x32xf32, #tpu.memory_space<vmem>>
          %dma_start3A_317 = arith.constant 0 : i32
          %dma_start3A_318 = arith.constant 0 : i32
          %dma_start3A_319 = tpu.memref_slice %arg4[%add3A_308, %dma_start3A_317, %dma_start3A_318] : memref<16384x200x128xf32, #tpu.memory_space<hbm>> -> memref<1x200x128xf32, #tpu.memory_space<hbm>>
          %dma_start3A_320 = tpu.memref_squeeze %dma_start3A_319 : memref<1x200x128xf32, #tpu.memory_space<hbm>> -> memref<200x128xf32, #tpu.memory_space<hbm>>
          %dma_start3A_321 = arith.constant 0 : i32
          %dma_start3A_322 = arith.constant 0 : i32
          %dma_start3A_323 = tpu.memref_slice %dma_start3A_320[%dma_start3A_321, %dma_start3A_322] : memref<200x128xf32, #tpu.memory_space<hbm>> -> memref<200x32xf32, #tpu.memory_space<hbm>>
          %dma_start3A_324 = arith.constant 0 : i32
          %dma_start3A_325 = arith.constant 0 : i32
          %dma_start3A_326 = tpu.memref_slice %arg4[%add3A_308, %dma_start3A_324, %dma_start3A_325] : memref<16384x200x128xf32, #tpu.memory_space<hbm>> -> memref<1x200x128xf32, #tpu.memory_space<hbm>>
          %dma_start3A_327 = tpu.memref_squeeze %dma_start3A_326 : memref<1x200x128xf32, #tpu.memory_space<hbm>> -> memref<200x128xf32, #tpu.memory_space<hbm>>
          %dma_start3A_328 = arith.constant 0 : i32
          %dma_start3A_329 = arith.constant 0 : i32
          %dma_start3A_330 = tpu.memref_slice %dma_start3A_327[%dma_start3A_328, %dma_start3A_329] : memref<200x128xf32, #tpu.memory_space<hbm>> -> memref<200x32xf32, #tpu.memory_space<hbm>>
          %dma_start3A_331 = arith.constant 0 : i32
          %dma_start3A_332 = arith.constant 0 : i32
          %dma_start3A_333 = tpu.memref_slice %arg6[%dma_start3A_309, %dma_start3A_331, %dma_start3A_332] : memref<2x1600x32xf32, #tpu.memory_space<vmem>> -> memref<1x1600x32xf32, #tpu.memory_space<vmem>>
          %dma_start3A_334 = tpu.memref_squeeze %dma_start3A_333 : memref<1x1600x32xf32, #tpu.memory_space<vmem>> -> memref<1600x32xf32, #tpu.memory_space<vmem>>
          %dma_start3A_335 = arith.constant 1200 : i32
          %dma_start3A_336 = arith.constant 0 : i32
          %dma_start3A_337 = tpu.memref_slice %dma_start3A_334[%dma_start3A_335, %dma_start3A_336] : memref<1600x32xf32, #tpu.memory_space<vmem>> -> memref<200x32xf32, #tpu.memory_space<vmem>>
          tpu.enqueue_dma source(%dma_start3A_337 : memref<200x32xf32, #tpu.memory_space<vmem>>) target(%dma_start3A_330 : memref<200x32xf32, #tpu.memory_space<hbm>>) target_semaphore(%arg10 : memref<!tpu.dma_semaphore, #tpu.memory_space<semaphore_mem>>)
          %mul3A_338 = arith.constant 8 : i32
          %mul3A_339 = arith.muli %sub3A_99, %mul3A_338 : i32
          %add3A_340 = arith.addi %mul3A_6, %mul3A_339 : i32
          %add3A_341 = arith.constant 7 : i32
          %add3A_342 = arith.addi %add3A_340, %add3A_341 : i32
          %dma_start3A_343 = arith.constant 1 : i32
          %dma_start3A_344 = arith.constant 0 : i32
          %dma_start3A_345 = arith.constant 0 : i32
          %dma_start3A_346 = tpu.memref_slice %arg6[%dma_start3A_343, %dma_start3A_344, %dma_start3A_345] : memref<2x1600x32xf32, #tpu.memory_space<vmem>> -> memref<1x1600x32xf32, #tpu.memory_space<vmem>>
          %dma_start3A_347 = tpu.memref_squeeze %dma_start3A_346 : memref<1x1600x32xf32, #tpu.memory_space<vmem>> -> memref<1600x32xf32, #tpu.memory_space<vmem>>
          %dma_start3A_348 = arith.constant 1400 : i32
          %dma_start3A_349 = arith.constant 0 : i32
          %dma_start3A_350 = tpu.memref_slice %dma_start3A_347[%dma_start3A_348, %dma_start3A_349] : memref<1600x32xf32, #tpu.memory_space<vmem>> -> memref<200x32xf32, #tpu.memory_space<vmem>>
          %dma_start3A_351 = arith.constant 0 : i32
          %dma_start3A_352 = arith.constant 0 : i32
          %dma_start3A_353 = tpu.memref_slice %arg4[%add3A_342, %dma_start3A_351, %dma_start3A_352] : memref<16384x200x128xf32, #tpu.memory_space<hbm>> -> memref<1x200x128xf32, #tpu.memory_space<hbm>>
          %dma_start3A_354 = tpu.memref_squeeze %dma_start3A_353 : memref<1x200x128xf32, #tpu.memory_space<hbm>> -> memref<200x128xf32, #tpu.memory_space<hbm>>
          %dma_start3A_355 = arith.constant 0 : i32
          %dma_start3A_356 = arith.constant 0 : i32
          %dma_start3A_357 = tpu.memref_slice %dma_start3A_354[%dma_start3A_355, %dma_start3A_356] : memref<200x128xf32, #tpu.memory_space<hbm>> -> memref<200x32xf32, #tpu.memory_space<hbm>>
          %dma_start3A_358 = arith.constant 0 : i32
          %dma_start3A_359 = arith.constant 0 : i32
          %dma_start3A_360 = tpu.memref_slice %arg4[%add3A_342, %dma_start3A_358, %dma_start3A_359] : memref<16384x200x128xf32, #tpu.memory_space<hbm>> -> memref<1x200x128xf32, #tpu.memory_space<hbm>>
          %dma_start3A_361 = tpu.memref_squeeze %dma_start3A_360 : memref<1x200x128xf32, #tpu.memory_space<hbm>> -> memref<200x128xf32, #tpu.memory_space<hbm>>
          %dma_start3A_362 = arith.constant 0 : i32
          %dma_start3A_363 = arith.constant 0 : i32
          %dma_start3A_364 = tpu.memref_slice %dma_start3A_361[%dma_start3A_362, %dma_start3A_363] : memref<200x128xf32, #tpu.memory_space<hbm>> -> memref<200x32xf32, #tpu.memory_space<hbm>>
          %dma_start3A_365 = arith.constant 0 : i32
          %dma_start3A_366 = arith.constant 0 : i32
          %dma_start3A_367 = tpu.memref_slice %arg6[%dma_start3A_343, %dma_start3A_365, %dma_start3A_366] : memref<2x1600x32xf32, #tpu.memory_space<vmem>> -> memref<1x1600x32xf32, #tpu.memory_space<vmem>>
          %dma_start3A_368 = tpu.memref_squeeze %dma_start3A_367 : memref<1x1600x32xf32, #tpu.memory_space<vmem>> -> memref<1600x32xf32, #tpu.memory_space<vmem>>
          %dma_start3A_369 = arith.constant 1400 : i32
          %dma_start3A_370 = arith.constant 0 : i32
          %dma_start3A_371 = tpu.memref_slice %dma_start3A_368[%dma_start3A_369, %dma_start3A_370] : memref<1600x32xf32, #tpu.memory_space<vmem>> -> memref<200x32xf32, #tpu.memory_space<vmem>>
          tpu.enqueue_dma source(%dma_start3A_371 : memref<200x32xf32, #tpu.memory_space<vmem>>) target(%dma_start3A_364 : memref<200x32xf32, #tpu.memory_space<hbm>>) target_semaphore(%arg10 : memref<!tpu.dma_semaphore, #tpu.memory_space<semaphore_mem>>)
        } else {
          %sub3A_98 = arith.constant 1 : i32
          %sub3A_99 = arith.subi %scan3A_62, %sub3A_98 : i32
          %mul3A_100 = arith.constant 8 : i32
          %mul3A_101 = arith.muli %sub3A_99, %mul3A_100 : i32
          %add3A_102 = arith.addi %mul3A_6, %mul3A_101 : i32
          %add3A_103 = arith.constant 0 : i32
          %add3A_104 = arith.addi %add3A_102, %add3A_103 : i32
          %dma_start3A_105 = arith.constant 0 : i32
          %dma_start3A_106 = arith.constant 0 : i32
          %dma_start3A_107 = arith.constant 0 : i32
          %dma_start3A_108 = tpu.memref_slice %arg6[%dma_start3A_105, %dma_start3A_106, %dma_start3A_107] : memref<2x1600x32xf32, #tpu.memory_space<vmem>> -> memref<1x1600x32xf32, #tpu.memory_space<vmem>>
          %dma_start3A_109 = tpu.memref_squeeze %dma_start3A_108 : memref<1x1600x32xf32, #tpu.memory_space<vmem>> -> memref<1600x32xf32, #tpu.memory_space<vmem>>
          %dma_start3A_110 = arith.constant 0 : i32
          %dma_start3A_111 = arith.constant 0 : i32
          %dma_start3A_112 = tpu.memref_slice %dma_start3A_109[%dma_start3A_110, %dma_start3A_111] : memref<1600x32xf32, #tpu.memory_space<vmem>> -> memref<200x32xf32, #tpu.memory_space<vmem>>
          %dma_start3A_113 = arith.constant 0 : i32
          %dma_start3A_114 = arith.constant 0 : i32
          %dma_start3A_115 = tpu.memref_slice %arg4[%add3A_104, %dma_start3A_113, %dma_start3A_114] : memref<16384x200x128xf32, #tpu.memory_space<hbm>> -> memref<1x200x128xf32, #tpu.memory_space<hbm>>
          %dma_start3A_116 = tpu.memref_squeeze %dma_start3A_115 : memref<1x200x128xf32, #tpu.memory_space<hbm>> -> memref<200x128xf32, #tpu.memory_space<hbm>>
          %dma_start3A_117 = arith.constant 0 : i32
          %dma_start3A_118 = arith.constant 0 : i32
          %dma_start3A_119 = tpu.memref_slice %dma_start3A_116[%dma_start3A_117, %dma_start3A_118] : memref<200x128xf32, #tpu.memory_space<hbm>> -> memref<200x32xf32, #tpu.memory_space<hbm>>
          %dma_start3A_120 = arith.constant 0 : i32
          %dma_start3A_121 = arith.constant 0 : i32
          %dma_start3A_122 = tpu.memref_slice %arg4[%add3A_104, %dma_start3A_120, %dma_start3A_121] : memref<16384x200x128xf32, #tpu.memory_space<hbm>> -> memref<1x200x128xf32, #tpu.memory_space<hbm>>
          %dma_start3A_123 = tpu.memref_squeeze %dma_start3A_122 : memref<1x200x128xf32, #tpu.memory_space<hbm>> -> memref<200x128xf32, #tpu.memory_space<hbm>>
          %dma_start3A_124 = arith.constant 0 : i32
          %dma_start3A_125 = arith.constant 0 : i32
          %dma_start3A_126 = tpu.memref_slice %dma_start3A_123[%dma_start3A_124, %dma_start3A_125] : memref<200x128xf32, #tpu.memory_space<hbm>> -> memref<200x32xf32, #tpu.memory_space<hbm>>
          %dma_start3A_127 = arith.constant 0 : i32
          %dma_start3A_128 = arith.constant 0 : i32
          %dma_start3A_129 = tpu.memref_slice %arg6[%dma_start3A_105, %dma_start3A_127, %dma_start3A_128] : memref<2x1600x32xf32, #tpu.memory_space<vmem>> -> memref<1x1600x32xf32, #tpu.memory_space<vmem>>
          %dma_start3A_130 = tpu.memref_squeeze %dma_start3A_129 : memref<1x1600x32xf32, #tpu.memory_space<vmem>> -> memref<1600x32xf32, #tpu.memory_space<vmem>>
          %dma_start3A_131 = arith.constant 0 : i32
          %dma_start3A_132 = arith.constant 0 : i32
          %dma_start3A_133 = tpu.memref_slice %dma_start3A_130[%dma_start3A_131, %dma_start3A_132] : memref<1600x32xf32, #tpu.memory_space<vmem>> -> memref<200x32xf32, #tpu.memory_space<vmem>>
          tpu.enqueue_dma source(%dma_start3A_133 : memref<200x32xf32, #tpu.memory_space<vmem>>) target(%dma_start3A_126 : memref<200x32xf32, #tpu.memory_space<hbm>>) target_semaphore(%arg9 : memref<!tpu.dma_semaphore, #tpu.memory_space<semaphore_mem>>)
          %mul3A_134 = arith.constant 8 : i32
          %mul3A_135 = arith.muli %sub3A_99, %mul3A_134 : i32
          %add3A_136 = arith.addi %mul3A_6, %mul3A_135 : i32
          %add3A_137 = arith.constant 1 : i32
          %add3A_138 = arith.addi %add3A_136, %add3A_137 : i32
          %dma_start3A_139 = arith.constant 0 : i32
          %dma_start3A_140 = arith.constant 0 : i32
          %dma_start3A_141 = arith.constant 0 : i32
          %dma_start3A_142 = tpu.memref_slice %arg6[%dma_start3A_139, %dma_start3A_140, %dma_start3A_141] : memref<2x1600x32xf32, #tpu.memory_space<vmem>> -> memref<1x1600x32xf32, #tpu.memory_space<vmem>>
          %dma_start3A_143 = tpu.memref_squeeze %dma_start3A_142 : memref<1x1600x32xf32, #tpu.memory_space<vmem>> -> memref<1600x32xf32, #tpu.memory_space<vmem>>
          %dma_start3A_144 = arith.constant 200 : i32
          %dma_start3A_145 = arith.constant 0 : i32
          %dma_start3A_146 = tpu.memref_slice %dma_start3A_143[%dma_start3A_144, %dma_start3A_145] : memref<1600x32xf32, #tpu.memory_space<vmem>> -> memref<200x32xf32, #tpu.memory_space<vmem>>
          %dma_start3A_147 = arith.constant 0 : i32
          %dma_start3A_148 = arith.constant 0 : i32
          %dma_start3A_149 = tpu.memref_slice %arg4[%add3A_138, %dma_start3A_147, %dma_start3A_148] : memref<16384x200x128xf32, #tpu.memory_space<hbm>> -> memref<1x200x128xf32, #tpu.memory_space<hbm>>
          %dma_start3A_150 = tpu.memref_squeeze %dma_start3A_149 : memref<1x200x128xf32, #tpu.memory_space<hbm>> -> memref<200x128xf32, #tpu.memory_space<hbm>>
          %dma_start3A_151 = arith.constant 0 : i32
          %dma_start3A_152 = arith.constant 0 : i32
          %dma_start3A_153 = tpu.memref_slice %dma_start3A_150[%dma_start3A_151, %dma_start3A_152] : memref<200x128xf32, #tpu.memory_space<hbm>> -> memref<200x32xf32, #tpu.memory_space<hbm>>
          %dma_start3A_154 = arith.constant 0 : i32
          %dma_start3A_155 = arith.constant 0 : i32
          %dma_start3A_156 = tpu.memref_slice %arg4[%add3A_138, %dma_start3A_154, %dma_start3A_155] : memref<16384x200x128xf32, #tpu.memory_space<hbm>> -> memref<1x200x128xf32, #tpu.memory_space<hbm>>
          %dma_start3A_157 = tpu.memref_squeeze %dma_start3A_156 : memref<1x200x128xf32, #tpu.memory_space<hbm>> -> memref<200x128xf32, #tpu.memory_space<hbm>>
          %dma_start3A_158 = arith.constant 0 : i32
          %dma_start3A_159 = arith.constant 0 : i32
          %dma_start3A_160 = tpu.memref_slice %dma_start3A_157[%dma_start3A_158, %dma_start3A_159] : memref<200x128xf32, #tpu.memory_space<hbm>> -> memref<200x32xf32, #tpu.memory_space<hbm>>
          %dma_start3A_161 = arith.constant 0 : i32
          %dma_start3A_162 = arith.constant 0 : i32
          %dma_start3A_163 = tpu.memref_slice %arg6[%dma_start3A_139, %dma_start3A_161, %dma_start3A_162] : memref<2x1600x32xf32, #tpu.memory_space<vmem>> -> memref<1x1600x32xf32, #tpu.memory_space<vmem>>
          %dma_start3A_164 = tpu.memref_squeeze %dma_start3A_163 : memref<1x1600x32xf32, #tpu.memory_space<vmem>> -> memref<1600x32xf32, #tpu.memory_space<vmem>>
          %dma_start3A_165 = arith.constant 200 : i32
          %dma_start3A_166 = arith.constant 0 : i32
          %dma_start3A_167 = tpu.memref_slice %dma_start3A_164[%dma_start3A_165, %dma_start3A_166] : memref<1600x32xf32, #tpu.memory_space<vmem>> -> memref<200x32xf32, #tpu.memory_space<vmem>>
          tpu.enqueue_dma source(%dma_start3A_167 : memref<200x32xf32, #tpu.memory_space<vmem>>) target(%dma_start3A_160 : memref<200x32xf32, #tpu.memory_space<hbm>>) target_semaphore(%arg9 : memref<!tpu.dma_semaphore, #tpu.memory_space<semaphore_mem>>)
          %mul3A_168 = arith.constant 8 : i32
          %mul3A_169 = arith.muli %sub3A_99, %mul3A_168 : i32
          %add3A_170 = arith.addi %mul3A_6, %mul3A_169 : i32
          %add3A_171 = arith.constant 2 : i32
          %add3A_172 = arith.addi %add3A_170, %add3A_171 : i32
          %dma_start3A_173 = arith.constant 0 : i32
          %dma_start3A_174 = arith.constant 0 : i32
          %dma_start3A_175 = arith.constant 0 : i32
          %dma_start3A_176 = tpu.memref_slice %arg6[%dma_start3A_173, %dma_start3A_174, %dma_start3A_175] : memref<2x1600x32xf32, #tpu.memory_space<vmem>> -> memref<1x1600x32xf32, #tpu.memory_space<vmem>>
          %dma_start3A_177 = tpu.memref_squeeze %dma_start3A_176 : memref<1x1600x32xf32, #tpu.memory_space<vmem>> -> memref<1600x32xf32, #tpu.memory_space<vmem>>
          %dma_start3A_178 = arith.constant 400 : i32
          %dma_start3A_179 = arith.constant 0 : i32
          %dma_start3A_180 = tpu.memref_slice %dma_start3A_177[%dma_start3A_178, %dma_start3A_179] : memref<1600x32xf32, #tpu.memory_space<vmem>> -> memref<200x32xf32, #tpu.memory_space<vmem>>
          %dma_start3A_181 = arith.constant 0 : i32
          %dma_start3A_182 = arith.constant 0 : i32
          %dma_start3A_183 = tpu.memref_slice %arg4[%add3A_172, %dma_start3A_181, %dma_start3A_182] : memref<16384x200x128xf32, #tpu.memory_space<hbm>> -> memref<1x200x128xf32, #tpu.memory_space<hbm>>
          %dma_start3A_184 = tpu.memref_squeeze %dma_start3A_183 : memref<1x200x128xf32, #tpu.memory_space<hbm>> -> memref<200x128xf32, #tpu.memory_space<hbm>>
          %dma_start3A_185 = arith.constant 0 : i32
          %dma_start3A_186 = arith.constant 0 : i32
          %dma_start3A_187 = tpu.memref_slice %dma_start3A_184[%dma_start3A_185, %dma_start3A_186] : memref<200x128xf32, #tpu.memory_space<hbm>> -> memref<200x32xf32, #tpu.memory_space<hbm>>
          %dma_start3A_188 = arith.constant 0 : i32
          %dma_start3A_189 = arith.constant 0 : i32
          %dma_start3A_190 = tpu.memref_slice %arg4[%add3A_172, %dma_start3A_188, %dma_start3A_189] : memref<16384x200x128xf32, #tpu.memory_space<hbm>> -> memref<1x200x128xf32, #tpu.memory_space<hbm>>
          %dma_start3A_191 = tpu.memref_squeeze %dma_start3A_190 : memref<1x200x128xf32, #tpu.memory_space<hbm>> -> memref<200x128xf32, #tpu.memory_space<hbm>>
          %dma_start3A_192 = arith.constant 0 : i32
          %dma_start3A_193 = arith.constant 0 : i32
          %dma_start3A_194 = tpu.memref_slice %dma_start3A_191[%dma_start3A_192, %dma_start3A_193] : memref<200x128xf32, #tpu.memory_space<hbm>> -> memref<200x32xf32, #tpu.memory_space<hbm>>
          %dma_start3A_195 = arith.constant 0 : i32
          %dma_start3A_196 = arith.constant 0 : i32
          %dma_start3A_197 = tpu.memref_slice %arg6[%dma_start3A_173, %dma_start3A_195, %dma_start3A_196] : memref<2x1600x32xf32, #tpu.memory_space<vmem>> -> memref<1x1600x32xf32, #tpu.memory_space<vmem>>
          %dma_start3A_198 = tpu.memref_squeeze %dma_start3A_197 : memref<1x1600x32xf32, #tpu.memory_space<vmem>> -> memref<1600x32xf32, #tpu.memory_space<vmem>>
          %dma_start3A_199 = arith.constant 400 : i32
          %dma_start3A_200 = arith.constant 0 : i32
          %dma_start3A_201 = tpu.memref_slice %dma_start3A_198[%dma_start3A_199, %dma_start3A_200] : memref<1600x32xf32, #tpu.memory_space<vmem>> -> memref<200x32xf32, #tpu.memory_space<vmem>>
          tpu.enqueue_dma source(%dma_start3A_201 : memref<200x32xf32, #tpu.memory_space<vmem>>) target(%dma_start3A_194 : memref<200x32xf32, #tpu.memory_space<hbm>>) target_semaphore(%arg9 : memref<!tpu.dma_semaphore, #tpu.memory_space<semaphore_mem>>)
          %mul3A_202 = arith.constant 8 : i32
          %mul3A_203 = arith.muli %sub3A_99, %mul3A_202 : i32
          %add3A_204 = arith.addi %mul3A_6, %mul3A_203 : i32
          %add3A_205 = arith.constant 3 : i32
          %add3A_206 = arith.addi %add3A_204, %add3A_205 : i32
          %dma_start3A_207 = arith.constant 0 : i32
          %dma_start3A_208 = arith.constant 0 : i32
          %dma_start3A_209 = arith.constant 0 : i32
          %dma_start3A_210 = tpu.memref_slice %arg6[%dma_start3A_207, %dma_start3A_208, %dma_start3A_209] : memref<2x1600x32xf32, #tpu.memory_space<vmem>> -> memref<1x1600x32xf32, #tpu.memory_space<vmem>>
          %dma_start3A_211 = tpu.memref_squeeze %dma_start3A_210 : memref<1x1600x32xf32, #tpu.memory_space<vmem>> -> memref<1600x32xf32, #tpu.memory_space<vmem>>
          %dma_start3A_212 = arith.constant 600 : i32
          %dma_start3A_213 = arith.constant 0 : i32
          %dma_start3A_214 = tpu.memref_slice %dma_start3A_211[%dma_start3A_212, %dma_start3A_213] : memref<1600x32xf32, #tpu.memory_space<vmem>> -> memref<200x32xf32, #tpu.memory_space<vmem>>
          %dma_start3A_215 = arith.constant 0 : i32
          %dma_start3A_216 = arith.constant 0 : i32
          %dma_start3A_217 = tpu.memref_slice %arg4[%add3A_206, %dma_start3A_215, %dma_start3A_216] : memref<16384x200x128xf32, #tpu.memory_space<hbm>> -> memref<1x200x128xf32, #tpu.memory_space<hbm>>
          %dma_start3A_218 = tpu.memref_squeeze %dma_start3A_217 : memref<1x200x128xf32, #tpu.memory_space<hbm>> -> memref<200x128xf32, #tpu.memory_space<hbm>>
          %dma_start3A_219 = arith.constant 0 : i32
          %dma_start3A_220 = arith.constant 0 : i32
          %dma_start3A_221 = tpu.memref_slice %dma_start3A_218[%dma_start3A_219, %dma_start3A_220] : memref<200x128xf32, #tpu.memory_space<hbm>> -> memref<200x32xf32, #tpu.memory_space<hbm>>
          %dma_start3A_222 = arith.constant 0 : i32
          %dma_start3A_223 = arith.constant 0 : i32
          %dma_start3A_224 = tpu.memref_slice %arg4[%add3A_206, %dma_start3A_222, %dma_start3A_223] : memref<16384x200x128xf32, #tpu.memory_space<hbm>> -> memref<1x200x128xf32, #tpu.memory_space<hbm>>
          %dma_start3A_225 = tpu.memref_squeeze %dma_start3A_224 : memref<1x200x128xf32, #tpu.memory_space<hbm>> -> memref<200x128xf32, #tpu.memory_space<hbm>>
          %dma_start3A_226 = arith.constant 0 : i32
          %dma_start3A_227 = arith.constant 0 : i32
          %dma_start3A_228 = tpu.memref_slice %dma_start3A_225[%dma_start3A_226, %dma_start3A_227] : memref<200x128xf32, #tpu.memory_space<hbm>> -> memref<200x32xf32, #tpu.memory_space<hbm>>
          %dma_start3A_229 = arith.constant 0 : i32
          %dma_start3A_230 = arith.constant 0 : i32
          %dma_start3A_231 = tpu.memref_slice %arg6[%dma_start3A_207, %dma_start3A_229, %dma_start3A_230] : memref<2x1600x32xf32, #tpu.memory_space<vmem>> -> memref<1x1600x32xf32, #tpu.memory_space<vmem>>
          %dma_start3A_232 = tpu.memref_squeeze %dma_start3A_231 : memref<1x1600x32xf32, #tpu.memory_space<vmem>> -> memref<1600x32xf32, #tpu.memory_space<vmem>>
          %dma_start3A_233 = arith.constant 600 : i32
          %dma_start3A_234 = arith.constant 0 : i32
          %dma_start3A_235 = tpu.memref_slice %dma_start3A_232[%dma_start3A_233, %dma_start3A_234] : memref<1600x32xf32, #tpu.memory_space<vmem>> -> memref<200x32xf32, #tpu.memory_space<vmem>>
          tpu.enqueue_dma source(%dma_start3A_235 : memref<200x32xf32, #tpu.memory_space<vmem>>) target(%dma_start3A_228 : memref<200x32xf32, #tpu.memory_space<hbm>>) target_semaphore(%arg9 : memref<!tpu.dma_semaphore, #tpu.memory_space<semaphore_mem>>)
          %mul3A_236 = arith.constant 8 : i32
          %mul3A_237 = arith.muli %sub3A_99, %mul3A_236 : i32
          %add3A_238 = arith.addi %mul3A_6, %mul3A_237 : i32
          %add3A_239 = arith.constant 4 : i32
          %add3A_240 = arith.addi %add3A_238, %add3A_239 : i32
          %dma_start3A_241 = arith.constant 0 : i32
          %dma_start3A_242 = arith.constant 0 : i32
          %dma_start3A_243 = arith.constant 0 : i32
          %dma_start3A_244 = tpu.memref_slice %arg6[%dma_start3A_241, %dma_start3A_242, %dma_start3A_243] : memref<2x1600x32xf32, #tpu.memory_space<vmem>> -> memref<1x1600x32xf32, #tpu.memory_space<vmem>>
          %dma_start3A_245 = tpu.memref_squeeze %dma_start3A_244 : memref<1x1600x32xf32, #tpu.memory_space<vmem>> -> memref<1600x32xf32, #tpu.memory_space<vmem>>
          %dma_start3A_246 = arith.constant 800 : i32
          %dma_start3A_247 = arith.constant 0 : i32
          %dma_start3A_248 = tpu.memref_slice %dma_start3A_245[%dma_start3A_246, %dma_start3A_247] : memref<1600x32xf32, #tpu.memory_space<vmem>> -> memref<200x32xf32, #tpu.memory_space<vmem>>
          %dma_start3A_249 = arith.constant 0 : i32
          %dma_start3A_250 = arith.constant 0 : i32
          %dma_start3A_251 = tpu.memref_slice %arg4[%add3A_240, %dma_start3A_249, %dma_start3A_250] : memref<16384x200x128xf32, #tpu.memory_space<hbm>> -> memref<1x200x128xf32, #tpu.memory_space<hbm>>
          %dma_start3A_252 = tpu.memref_squeeze %dma_start3A_251 : memref<1x200x128xf32, #tpu.memory_space<hbm>> -> memref<200x128xf32, #tpu.memory_space<hbm>>
          %dma_start3A_253 = arith.constant 0 : i32
          %dma_start3A_254 = arith.constant 0 : i32
          %dma_start3A_255 = tpu.memref_slice %dma_start3A_252[%dma_start3A_253, %dma_start3A_254] : memref<200x128xf32, #tpu.memory_space<hbm>> -> memref<200x32xf32, #tpu.memory_space<hbm>>
          %dma_start3A_256 = arith.constant 0 : i32
          %dma_start3A_257 = arith.constant 0 : i32
          %dma_start3A_258 = tpu.memref_slice %arg4[%add3A_240, %dma_start3A_256, %dma_start3A_257] : memref<16384x200x128xf32, #tpu.memory_space<hbm>> -> memref<1x200x128xf32, #tpu.memory_space<hbm>>
          %dma_start3A_259 = tpu.memref_squeeze %dma_start3A_258 : memref<1x200x128xf32, #tpu.memory_space<hbm>> -> memref<200x128xf32, #tpu.memory_space<hbm>>
          %dma_start3A_260 = arith.constant 0 : i32
          %dma_start3A_261 = arith.constant 0 : i32
          %dma_start3A_262 = tpu.memref_slice %dma_start3A_259[%dma_start3A_260, %dma_start3A_261] : memref<200x128xf32, #tpu.memory_space<hbm>> -> memref<200x32xf32, #tpu.memory_space<hbm>>
          %dma_start3A_263 = arith.constant 0 : i32
          %dma_start3A_264 = arith.constant 0 : i32
          %dma_start3A_265 = tpu.memref_slice %arg6[%dma_start3A_241, %dma_start3A_263, %dma_start3A_264] : memref<2x1600x32xf32, #tpu.memory_space<vmem>> -> memref<1x1600x32xf32, #tpu.memory_space<vmem>>
          %dma_start3A_266 = tpu.memref_squeeze %dma_start3A_265 : memref<1x1600x32xf32, #tpu.memory_space<vmem>> -> memref<1600x32xf32, #tpu.memory_space<vmem>>
          %dma_start3A_267 = arith.constant 800 : i32
          %dma_start3A_268 = arith.constant 0 : i32
          %dma_start3A_269 = tpu.memref_slice %dma_start3A_266[%dma_start3A_267, %dma_start3A_268] : memref<1600x32xf32, #tpu.memory_space<vmem>> -> memref<200x32xf32, #tpu.memory_space<vmem>>
          tpu.enqueue_dma source(%dma_start3A_269 : memref<200x32xf32, #tpu.memory_space<vmem>>) target(%dma_start3A_262 : memref<200x32xf32, #tpu.memory_space<hbm>>) target_semaphore(%arg9 : memref<!tpu.dma_semaphore, #tpu.memory_space<semaphore_mem>>)
          %mul3A_270 = arith.constant 8 : i32
          %mul3A_271 = arith.muli %sub3A_99, %mul3A_270 : i32
          %add3A_272 = arith.addi %mul3A_6, %mul3A_271 : i32
          %add3A_273 = arith.constant 5 : i32
          %add3A_274 = arith.addi %add3A_272, %add3A_273 : i32
          %dma_start3A_275 = arith.constant 0 : i32
          %dma_start3A_276 = arith.constant 0 : i32
          %dma_start3A_277 = arith.constant 0 : i32
          %dma_start3A_278 = tpu.memref_slice %arg6[%dma_start3A_275, %dma_start3A_276, %dma_start3A_277] : memref<2x1600x32xf32, #tpu.memory_space<vmem>> -> memref<1x1600x32xf32, #tpu.memory_space<vmem>>
          %dma_start3A_279 = tpu.memref_squeeze %dma_start3A_278 : memref<1x1600x32xf32, #tpu.memory_space<vmem>> -> memref<1600x32xf32, #tpu.memory_space<vmem>>
          %dma_start3A_280 = arith.constant 1000 : i32
          %dma_start3A_281 = arith.constant 0 : i32
          %dma_start3A_282 = tpu.memref_slice %dma_start3A_279[%dma_start3A_280, %dma_start3A_281] : memref<1600x32xf32, #tpu.memory_space<vmem>> -> memref<200x32xf32, #tpu.memory_space<vmem>>
          %dma_start3A_283 = arith.constant 0 : i32
          %dma_start3A_284 = arith.constant 0 : i32
          %dma_start3A_285 = tpu.memref_slice %arg4[%add3A_274, %dma_start3A_283, %dma_start3A_284] : memref<16384x200x128xf32, #tpu.memory_space<hbm>> -> memref<1x200x128xf32, #tpu.memory_space<hbm>>
          %dma_start3A_286 = tpu.memref_squeeze %dma_start3A_285 : memref<1x200x128xf32, #tpu.memory_space<hbm>> -> memref<200x128xf32, #tpu.memory_space<hbm>>
          %dma_start3A_287 = arith.constant 0 : i32
          %dma_start3A_288 = arith.constant 0 : i32
          %dma_start3A_289 = tpu.memref_slice %dma_start3A_286[%dma_start3A_287, %dma_start3A_288] : memref<200x128xf32, #tpu.memory_space<hbm>> -> memref<200x32xf32, #tpu.memory_space<hbm>>
          %dma_start3A_290 = arith.constant 0 : i32
          %dma_start3A_291 = arith.constant 0 : i32
          %dma_start3A_292 = tpu.memref_slice %arg4[%add3A_274, %dma_start3A_290, %dma_start3A_291] : memref<16384x200x128xf32, #tpu.memory_space<hbm>> -> memref<1x200x128xf32, #tpu.memory_space<hbm>>
          %dma_start3A_293 = tpu.memref_squeeze %dma_start3A_292 : memref<1x200x128xf32, #tpu.memory_space<hbm>> -> memref<200x128xf32, #tpu.memory_space<hbm>>
          %dma_start3A_294 = arith.constant 0 : i32
          %dma_start3A_295 = arith.constant 0 : i32
          %dma_start3A_296 = tpu.memref_slice %dma_start3A_293[%dma_start3A_294, %dma_start3A_295] : memref<200x128xf32, #tpu.memory_space<hbm>> -> memref<200x32xf32, #tpu.memory_space<hbm>>
          %dma_start3A_297 = arith.constant 0 : i32
          %dma_start3A_298 = arith.constant 0 : i32
          %dma_start3A_299 = tpu.memref_slice %arg6[%dma_start3A_275, %dma_start3A_297, %dma_start3A_298] : memref<2x1600x32xf32, #tpu.memory_space<vmem>> -> memref<1x1600x32xf32, #tpu.memory_space<vmem>>
          %dma_start3A_300 = tpu.memref_squeeze %dma_start3A_299 : memref<1x1600x32xf32, #tpu.memory_space<vmem>> -> memref<1600x32xf32, #tpu.memory_space<vmem>>
          %dma_start3A_301 = arith.constant 1000 : i32
          %dma_start3A_302 = arith.constant 0 : i32
          %dma_start3A_303 = tpu.memref_slice %dma_start3A_300[%dma_start3A_301, %dma_start3A_302] : memref<1600x32xf32, #tpu.memory_space<vmem>> -> memref<200x32xf32, #tpu.memory_space<vmem>>
          tpu.enqueue_dma source(%dma_start3A_303 : memref<200x32xf32, #tpu.memory_space<vmem>>) target(%dma_start3A_296 : memref<200x32xf32, #tpu.memory_space<hbm>>) target_semaphore(%arg9 : memref<!tpu.dma_semaphore, #tpu.memory_space<semaphore_mem>>)
          %mul3A_304 = arith.constant 8 : i32
          %mul3A_305 = arith.muli %sub3A_99, %mul3A_304 : i32
          %add3A_306 = arith.addi %mul3A_6, %mul3A_305 : i32
          %add3A_307 = arith.constant 6 : i32
          %add3A_308 = arith.addi %add3A_306, %add3A_307 : i32
          %dma_start3A_309 = arith.constant 0 : i32
          %dma_start3A_310 = arith.constant 0 : i32
          %dma_start3A_311 = arith.constant 0 : i32
          %dma_start3A_312 = tpu.memref_slice %arg6[%dma_start3A_309, %dma_start3A_310, %dma_start3A_311] : memref<2x1600x32xf32, #tpu.memory_space<vmem>> -> memref<1x1600x32xf32, #tpu.memory_space<vmem>>
          %dma_start3A_313 = tpu.memref_squeeze %dma_start3A_312 : memref<1x1600x32xf32, #tpu.memory_space<vmem>> -> memref<1600x32xf32, #tpu.memory_space<vmem>>
          %dma_start3A_314 = arith.constant 1200 : i32
          %dma_start3A_315 = arith.constant 0 : i32
          %dma_start3A_316 = tpu.memref_slice %dma_start3A_313[%dma_start3A_314, %dma_start3A_315] : memref<1600x32xf32, #tpu.memory_space<vmem>> -> memref<200x32xf32, #tpu.memory_space<vmem>>
          %dma_start3A_317 = arith.constant 0 : i32
          %dma_start3A_318 = arith.constant 0 : i32
          %dma_start3A_319 = tpu.memref_slice %arg4[%add3A_308, %dma_start3A_317, %dma_start3A_318] : memref<16384x200x128xf32, #tpu.memory_space<hbm>> -> memref<1x200x128xf32, #tpu.memory_space<hbm>>
          %dma_start3A_320 = tpu.memref_squeeze %dma_start3A_319 : memref<1x200x128xf32, #tpu.memory_space<hbm>> -> memref<200x128xf32, #tpu.memory_space<hbm>>
          %dma_start3A_321 = arith.constant 0 : i32
          %dma_start3A_322 = arith.constant 0 : i32
          %dma_start3A_323 = tpu.memref_slice %dma_start3A_320[%dma_start3A_321, %dma_start3A_322] : memref<200x128xf32, #tpu.memory_space<hbm>> -> memref<200x32xf32, #tpu.memory_space<hbm>>
          %dma_start3A_324 = arith.constant 0 : i32
          %dma_start3A_325 = arith.constant 0 : i32
          %dma_start3A_326 = tpu.memref_slice %arg4[%add3A_308, %dma_start3A_324, %dma_start3A_325] : memref<16384x200x128xf32, #tpu.memory_space<hbm>> -> memref<1x200x128xf32, #tpu.memory_space<hbm>>
          %dma_start3A_327 = tpu.memref_squeeze %dma_start3A_326 : memref<1x200x128xf32, #tpu.memory_space<hbm>> -> memref<200x128xf32, #tpu.memory_space<hbm>>
          %dma_start3A_328 = arith.constant 0 : i32
          %dma_start3A_329 = arith.constant 0 : i32
          %dma_start3A_330 = tpu.memref_slice %dma_start3A_327[%dma_start3A_328, %dma_start3A_329] : memref<200x128xf32, #tpu.memory_space<hbm>> -> memref<200x32xf32, #tpu.memory_space<hbm>>
          %dma_start3A_331 = arith.constant 0 : i32
          %dma_start3A_332 = arith.constant 0 : i32
          %dma_start3A_333 = tpu.memref_slice %arg6[%dma_start3A_309, %dma_start3A_331, %dma_start3A_332] : memref<2x1600x32xf32, #tpu.memory_space<vmem>> -> memref<1x1600x32xf32, #tpu.memory_space<vmem>>
          %dma_start3A_334 = tpu.memref_squeeze %dma_start3A_333 : memref<1x1600x32xf32, #tpu.memory_space<vmem>> -> memref<1600x32xf32, #tpu.memory_space<vmem>>
          %dma_start3A_335 = arith.constant 1200 : i32
          %dma_start3A_336 = arith.constant 0 : i32
          %dma_start3A_337 = tpu.memref_slice %dma_start3A_334[%dma_start3A_335, %dma_start3A_336] : memref<1600x32xf32, #tpu.memory_space<vmem>> -> memref<200x32xf32, #tpu.memory_space<vmem>>
          tpu.enqueue_dma source(%dma_start3A_337 : memref<200x32xf32, #tpu.memory_space<vmem>>) target(%dma_start3A_330 : memref<200x32xf32, #tpu.memory_space<hbm>>) target_semaphore(%arg9 : memref<!tpu.dma_semaphore, #tpu.memory_space<semaphore_mem>>)
          %mul3A_338 = arith.constant 8 : i32
          %mul3A_339 = arith.muli %sub3A_99, %mul3A_338 : i32
          %add3A_340 = arith.addi %mul3A_6, %mul3A_339 : i32
          %add3A_341 = arith.constant 7 : i32
          %add3A_342 = arith.addi %add3A_340, %add3A_341 : i32
          %dma_start3A_343 = arith.constant 0 : i32
          %dma_start3A_344 = arith.constant 0 : i32
          %dma_start3A_345 = arith.constant 0 : i32
          %dma_start3A_346 = tpu.memref_slice %arg6[%dma_start3A_343, %dma_start3A_344, %dma_start3A_345] : memref<2x1600x32xf32, #tpu.memory_space<vmem>> -> memref<1x1600x32xf32, #tpu.memory_space<vmem>>
          %dma_start3A_347 = tpu.memref_squeeze %dma_start3A_346 : memref<1x1600x32xf32, #tpu.memory_space<vmem>> -> memref<1600x32xf32, #tpu.memory_space<vmem>>
          %dma_start3A_348 = arith.constant 1400 : i32
          %dma_start3A_349 = arith.constant 0 : i32
          %dma_start3A_350 = tpu.memref_slice %dma_start3A_347[%dma_start3A_348, %dma_start3A_349] : memref<1600x32xf32, #tpu.memory_space<vmem>> -> memref<200x32xf32, #tpu.memory_space<vmem>>
          %dma_start3A_351 = arith.constant 0 : i32
          %dma_start3A_352 = arith.constant 0 : i32
          %dma_start3A_353 = tpu.memref_slice %arg4[%add3A_342, %dma_start3A_351, %dma_start3A_352] : memref<16384x200x128xf32, #tpu.memory_space<hbm>> -> memref<1x200x128xf32, #tpu.memory_space<hbm>>
          %dma_start3A_354 = tpu.memref_squeeze %dma_start3A_353 : memref<1x200x128xf32, #tpu.memory_space<hbm>> -> memref<200x128xf32, #tpu.memory_space<hbm>>
          %dma_start3A_355 = arith.constant 0 : i32
          %dma_start3A_356 = arith.constant 0 : i32
          %dma_start3A_357 = tpu.memref_slice %dma_start3A_354[%dma_start3A_355, %dma_start3A_356] : memref<200x128xf32, #tpu.memory_space<hbm>> -> memref<200x32xf32, #tpu.memory_space<hbm>>
          %dma_start3A_358 = arith.constant 0 : i32
          %dma_start3A_359 = arith.constant 0 : i32
          %dma_start3A_360 = tpu.memref_slice %arg4[%add3A_342, %dma_start3A_358, %dma_start3A_359] : memref<16384x200x128xf32, #tpu.memory_space<hbm>> -> memref<1x200x128xf32, #tpu.memory_space<hbm>>
          %dma_start3A_361 = tpu.memref_squeeze %dma_start3A_360 : memref<1x200x128xf32, #tpu.memory_space<hbm>> -> memref<200x128xf32, #tpu.memory_space<hbm>>
          %dma_start3A_362 = arith.constant 0 : i32
          %dma_start3A_363 = arith.constant 0 : i32
          %dma_start3A_364 = tpu.memref_slice %dma_start3A_361[%dma_start3A_362, %dma_start3A_363] : memref<200x128xf32, #tpu.memory_space<hbm>> -> memref<200x32xf32, #tpu.memory_space<hbm>>
          %dma_start3A_365 = arith.constant 0 : i32
          %dma_start3A_366 = arith.constant 0 : i32
          %dma_start3A_367 = tpu.memref_slice %arg6[%dma_start3A_343, %dma_start3A_365, %dma_start3A_366] : memref<2x1600x32xf32, #tpu.memory_space<vmem>> -> memref<1x1600x32xf32, #tpu.memory_space<vmem>>
          %dma_start3A_368 = tpu.memref_squeeze %dma_start3A_367 : memref<1x1600x32xf32, #tpu.memory_space<vmem>> -> memref<1600x32xf32, #tpu.memory_space<vmem>>
          %dma_start3A_369 = arith.constant 1400 : i32
          %dma_start3A_370 = arith.constant 0 : i32
          %dma_start3A_371 = tpu.memref_slice %dma_start3A_368[%dma_start3A_369, %dma_start3A_370] : memref<1600x32xf32, #tpu.memory_space<vmem>> -> memref<200x32xf32, #tpu.memory_space<vmem>>
          tpu.enqueue_dma source(%dma_start3A_371 : memref<200x32xf32, #tpu.memory_space<vmem>>) target(%dma_start3A_364 : memref<200x32xf32, #tpu.memory_space<hbm>>) target_semaphore(%arg9 : memref<!tpu.dma_semaphore, #tpu.memory_space<semaphore_mem>>)
        }
      } else {
      }
    }
    %scan3A_32 = arith.constant 65 : i32
    %dma_wait3A = arith.constant 0 : i32
    %dma_wait3A_33 = arith.constant 0 : i32
    %dma_wait3A_34 = arith.constant 0 : i32
    %dma_wait3A_35 = tpu.memref_slice %arg6[%dma_wait3A, %dma_wait3A_33, %dma_wait3A_34] : memref<2x1600x32xf32, #tpu.memory_space<vmem>> -> memref<1x1600x32xf32, #tpu.memory_space<vmem>>
    %dma_wait3A_36 = tpu.memref_squeeze %dma_wait3A_35 : memref<1x1600x32xf32, #tpu.memory_space<vmem>> -> memref<1600x32xf32, #tpu.memory_space<vmem>>
    %dma_wait3A_37 = arith.constant 0 : i32
    %dma_wait3A_38 = arith.constant 0 : i32
    %dma_wait3A_39 = tpu.memref_slice %arg3[%dma_wait3A_37, %dma_wait3A_38] : memref<1000000x32xf32, #tpu.memory_space<hbm>> -> memref<1600x32xf32, #tpu.memory_space<hbm>>
    %dma_wait3A_40 = arith.constant 0 : i32
    %dma_wait3A_41 = arith.constant 0 : i32
    %dma_wait3A_42 = tpu.memref_slice %arg6[%dma_wait3A, %dma_wait3A_40, %dma_wait3A_41] : memref<2x1600x32xf32, #tpu.memory_space<vmem>> -> memref<1x1600x32xf32, #tpu.memory_space<vmem>>
    %dma_wait3A_43 = tpu.memref_squeeze %dma_wait3A_42 : memref<1x1600x32xf32, #tpu.memory_space<vmem>> -> memref<1600x32xf32, #tpu.memory_space<vmem>>
    %dma_wait3A_44 = arith.constant 0 : i32
    %dma_wait3A_45 = arith.constant 0 : i32
    %dma_wait3A_46 = tpu.memref_slice %arg3[%dma_wait3A_44, %dma_wait3A_45] : memref<1000000x32xf32, #tpu.memory_space<hbm>> -> memref<1600x32xf32, #tpu.memory_space<hbm>>
    tpu.wait_dma2 semaphore(%arg9 : memref<!tpu.dma_semaphore, #tpu.memory_space<semaphore_mem>>) src(%dma_wait3A_46 : memref<1600x32xf32, #tpu.memory_space<hbm>>) dst(%dma_wait3A_43 : memref<1600x32xf32, #tpu.memory_space<vmem>>)
    %dma_wait3A_47 = arith.constant 0 : i32
    %dma_wait3A_48 = arith.constant 0 : i32
    %dma_wait3A_49 = arith.constant 0 : i32
    %dma_wait3A_50 = tpu.memref_slice %arg6[%dma_wait3A_47, %dma_wait3A_48, %dma_wait3A_49] : memref<2x1600x32xf32, #tpu.memory_space<vmem>> -> memref<1x1600x32xf32, #tpu.memory_space<vmem>>
    %dma_wait3A_51 = tpu.memref_squeeze %dma_wait3A_50 : memref<1x1600x32xf32, #tpu.memory_space<vmem>> -> memref<1600x32xf32, #tpu.memory_space<vmem>>
    %dma_wait3A_52 = arith.constant 0 : i32
    %dma_wait3A_53 = arith.constant 0 : i32
    %dma_wait3A_54 = tpu.memref_slice %arg3[%dma_wait3A_52, %dma_wait3A_53] : memref<1000000x32xf32, #tpu.memory_space<hbm>> -> memref<1600x32xf32, #tpu.memory_space<hbm>>
    %dma_wait3A_55 = arith.constant 0 : i32
    %dma_wait3A_56 = arith.constant 0 : i32
    %dma_wait3A_57 = tpu.memref_slice %arg6[%dma_wait3A_47, %dma_wait3A_55, %dma_wait3A_56] : memref<2x1600x32xf32, #tpu.memory_space<vmem>> -> memref<1x1600x32xf32, #tpu.memory_space<vmem>>
    %dma_wait3A_58 = tpu.memref_squeeze %dma_wait3A_57 : memref<1x1600x32xf32, #tpu.memory_space<vmem>> -> memref<1600x32xf32, #tpu.memory_space<vmem>>
    %dma_wait3A_59 = arith.constant 0 : i32
    %dma_wait3A_60 = arith.constant 0 : i32
    %dma_wait3A_61 = tpu.memref_slice %arg3[%dma_wait3A_59, %dma_wait3A_60] : memref<1000000x32xf32, #tpu.memory_space<hbm>> -> memref<1600x32xf32, #tpu.memory_space<hbm>>
    tpu.wait_dma2 semaphore(%arg10 : memref<!tpu.dma_semaphore, #tpu.memory_space<semaphore_mem>>) src(%dma_wait3A_61 : memref<1600x32xf32, #tpu.memory_space<hbm>>) dst(%dma_wait3A_58 : memref<1600x32xf32, #tpu.memory_space<vmem>>)
    return
  }
}

</mosaic_0001>

<sc_bundles>
// kernel: kernel.3.cloned.1.call-start
scs
__scs_entry_jumppad:
0x0: {  	(pc) =	sbr.rel $0x88, $3  }
0x1: {  	(tag) =	ssettag $0x0;
	lr =	simm.s32 $0x1  }
0x2: {  	[smem:$0x3F9F] =	sst lr;
	_ =	strace $0xD0000000  }
0x3: {  	_ = 	snop  }
0x4: {  	_ = 	snop  }
0x5: {  	_ = 	snop  }
0x6: {  	_ = 	snop  }
0x7: {  	_ = 	snop  }
__scs_overlays_trampoline_lowered:
0x8: {  	[smem:$0x3FAE] =	sst s0  }
0x9: {  	[smem:$0x3FAF] =	sst s1  }
0xa: {  	[smem:$0x3FB0] =	sst s2  }
0xb: {  	[smem:$0x3FB1] =	sst s3  }
0xc: {  	[smem:$0x3FB2] =	sst s4  }
0xd: {  	[smem:$0x3FB3] =	sst s5  }
0xe: {  	[smem:$0x3FB4] =	sst s6  }
0xf: {  	[smem:$0x3FB5] =	sst s7  }
0x10: {  	[smem:$0x3FB6] =	sst s8  }
0x11: {  	[smem:$0x3FB7] =	sst s9;
	s0 =	simm.s32 @!p0 $0x0  }
0x12: {  	s1 =	sld [smem:$0x3F9D];
	s0 =	simm.s32 @p0 $0x1  }
0x13: {  	[smem:$0x3FB8] =	sst s0;
	s0 =	simm.s32 @!p1 $0x0  }
0x14: {  	s2 =	sld [smem:$0x3F9C];
	s0 =	simm.s32 @p1 $0x1  }
0x15: {  	[smem:$0x3FB9] =	sst s0;
	s0 =	simm.s32 @!p2 $0x0  }
0x16: {  	s3 =	sld [smem:$0x3FDB];
	s0 =	simm.s32 @p2 $0x1  }
0x17: {  	s4 =	simm.s32 $0x1BF5;
	[smem:$0x3FBB] =	sst s0  }
0x18: {  	s0 =	sld [smem:$0x3F9E];
	_ =	swait.ge [sflag:s4], $0x0  }
0x19: {  	s7 =	sld [smem:$0x3F9F]  }
0x1a: {  	s8 =	sadd.s32 $0xFFFFE003, lr  }
0x1b: {  	s9 =	sadd.s32 $0xFFFFFEF7, lr;
	s5 =	simm.s32 $0xFFFFFFFF;
	p2 =	slt.u32 s8, $0xFFFFF086  }
0x1c: {  	p1 =	slt.u32 s9, $0xF7A;
	s5 =	simm.s32 @!p2 $0x0  }
0x1d: {  	s5 =	simm.s32 @p1 $0x1;
	p0 =	seq.s32 s7, s2  }
0x1e: {  	s7 =	smul.u32 @!p0 $0xF7A, s2;
	p2 =	seq.s32 @!p0 s5, $0x0  }
0x1f: {  	s9 =	smul.u32 $0xF7A, s1;
	s8 =	simm.s32 @!p0 $0x1BF5;
	p2 =	por !p2, p0  }
0x20: {  	[sflag:s8] =	ssyncset.s32 @!p0 $0xFFFFF086;
	s6 =	sadd.s32 @!p0 s3, s7;
	s7 =	simm.s32 @!p0 $0x108  }
0x21: {  	s3 =	sadd.s32 s3, s9;
	s6 =	sadd.s32 @!p0 $0x88, s6;
	s7 =	simm.s32 @p2 $0x1082  }
0x22: {  	[simem:s7], [sflag:s8] =	dma.local @!p0 [hbm:s6], $0xF7A  }
0x23: {  	s9 =	sor.u32 $0xD0000000, s2;
	s6 =	simm.s32 $0x108;
	_ =	swait.ge @!p0 [sflag:s8], $0x0  }
0x24: {  	s3 =	sadd.s32 $0x88, s3;
	s6 =	simm.s32 @!p1 $0x1082;
	[sflag:s4] =	ssyncset.s32 $0xFFFFF086  }
0x25: {  	[simem:s6], [sflag:s4] =	dma.local [hbm:s3], $0xF7A  }
0x26: {  	[smem:$0x3F9F] =	sst s1;
	(tag) =	ssettag s2;
	_ =	strace s9  }
0x27: {  	s1 =	sld [smem:$0x3FAF]  }
0x28: {  	s2 =	sld [smem:$0x3FB0]  }
0x29: {  	s4 =	sld [smem:$0x3FB2]  }
0x2a: {  	p0 =	seq.s32 s5, $0x0;
	s5 =	sld [smem:$0x3FB3]  }
0x2b: {  	s6 =	sld [smem:$0x3FB4]  }
0x2c: {  	s7 =	sld [smem:$0x3FB5]  }
0x2d: {  	s3 =	simm.s32 $0x108;
	s8 =	sld [smem:$0x3FB6]  }
0x2e: {  	s3 =	simm.s32 @!p0 $0x1082;
	s9 =	sld [smem:$0x3FB7]  }
0x2f: {  	lr =	sadd.s32 s0, s3;
	s0 =	sld [smem:$0x3FAE]  }
0x30: {  	s3 =	sld [smem:$0x3FB1]  }
0x31: {  	[smem:$0x3FBA] =	sst s10  }
0x32: {  	s10 =	sld [smem:$0x3FB8];
	_ =	sdelay $0x3  }
0x33: {  	p0 =	seq.s32 s10, $0x1;
	s10 =	sld [smem:$0x3FBA];
	_ =	sdelay $0x3  }
0x34: {  	[smem:$0x3FBA] =	sst s10  }
0x35: {  	s10 =	sld [smem:$0x3FB9];
	_ =	sdelay $0x3  }
0x36: {  	p1 =	seq.s32 s10, $0x1;
	s10 =	sld [smem:$0x3FBA];
	_ =	sdelay $0x3  }
0x37: {  	[smem:$0x3FBA] =	sst s10  }
0x38: {  	s10 =	sld [smem:$0x3FBB]  }
0x39: {  	_ = 	snop;
	(pc) =	sbr.ind lr, $3  }
0x3a: {  	_ = 	snop  }
0x3b: {  	_ = 	snop  }
0x3c: {  	p2 =	seq.s32 s10, $0x1;
	s10 =	sld [smem:$0x3FBA]  }
0x3d: {  	_ =	shalt  }
0x3e: {  	_ =	shalt  }
0x3f: {  	_ =	shalt  }
0x40: {  	_ =	shalt  }
0x41: {  	_ =	shalt  }
0x42: {  	_ =	shalt  }
0x43: {  	_ =	shalt  }
0x44: {  	_ =	shalt  }
0x45: {  	_ =	shalt  }
0x46: {  	_ =	shalt  }
0x47: {  	_ =	shalt  }
0x48: {  	_ =	shalt  }
0x49: {  	_ =	shalt  }
0x4a: {  	_ =	shalt  }
0x4b: {  	_ =	shalt  }
0x4c: {  	_ =	shalt  }
0x4d: {  	_ =	shalt  }
0x4e: {  	_ =	shalt  }
0x4f: {  	_ =	shalt  }
0x50: {  	_ =	shalt  }
0x51: {  	_ =	shalt  }
0x52: {  	_ =	shalt  }
0x53: {  	_ =	shalt  }
0x54: {  	_ =	shalt  }
0x55: {  	_ =	shalt  }
0x56: {  	_ =	shalt  }
0x57: {  	_ =	shalt  }
0x58: {  	_ =	shalt  }
0x59: {  	_ =	shalt  }
0x5a: {  	_ =	shalt  }
0x5b: {  	_ =	shalt  }
0x5c: {  	_ =	shalt  }
0x5d: {  	_ =	shalt  }
0x5e: {  	_ =	shalt  }
0x5f: {  	_ =	shalt  }
0x60: {  	_ =	shalt  }
0x61: {  	_ =	shalt  }
0x62: {  	_ =	shalt  }
0x63: {  	_ =	shalt  }
0x64: {  	_ =	shalt  }
0x65: {  	_ =	shalt  }
0x66: {  	_ =	shalt  }
0x67: {  	_ =	shalt  }
0x68: {  	_ =	shalt  }
0x69: {  	_ =	shalt  }
0x6a: {  	_ =	shalt  }
0x6b: {  	_ =	shalt  }
0x6c: {  	_ =	shalt  }
0x6d: {  	_ =	shalt  }
0x6e: {  	_ =	shalt  }
0x6f: {  	_ =	shalt  }
0x70: {  	_ =	shalt  }
0x71: {  	_ =	shalt  }
0x72: {  	_ =	shalt  }
0x73: {  	_ =	shalt  }
0x74: {  	_ =	shalt  }
0x75: {  	_ =	shalt  }
0x76: {  	_ =	shalt  }
0x77: {  	_ =	shalt  }
0x78: {  	_ =	shalt  }
0x79: {  	_ =	shalt  }
0x7a: {  	_ =	shalt  }
0x7b: {  	_ =	shalt  }
0x7c: {  	_ =	shalt  }
0x7d: {  	_ =	shalt  }
0x7e: {  	_ =	shalt  }
0x7f: {  	_ =	shalt  }
0x80: {  	_ =	shalt  }
0x81: {  	_ =	shalt  }
0x82: {  	_ =	shalt  }
0x83: {  	_ =	shalt  }
0x84: {  	_ =	shalt  }
0x85: {  	_ =	shalt  }
0x86: {  	_ =	shalt  }
0x87: {  	_ =	shalt  }
.Lfunc_end0:
.L_simem_size_0:
called_computation.1_lowered:
.L_overlay_start_0:
0x88: {  	s2 =	sld [smem:$0x3FD9]  }
0x89: {  	s3 =	sld [smem:$0x3FFE];
	_ =	sdelay $0x1  }
0x8a: {  	s1 =	srdreg.scid  }
0x8b: {  	s0 =	sand.u32 $0x1, s1  }
0x8c: {  	s17 =	sshll.u32 s0, $0xA;
	s2 =	sadd.s32 s3, s2  }
0x8d: {  	s2 =	sadd.s32 s2, s17  }
0x8e: {  	[smem:$0x3FC6] =	sst s2  }
0x8f: {  	_ = 	snop  }
0x90: {  	s2 =	sld [smem:$0x3FD0];
	(tm) =	ssettm $0x1  }
0x91: {  	s18 =	sld [smem:$0x3FFB];
	_ =	sdelay $0x3  }
0x92: {  	_ =	strace s18  }
0x93: {  	s3 =	sld [smem:$0x3FFC];
	_ =	sdelay $0x3  }
0x94: {  	_ =	strace s3  }
0x95: {  	s3 =	sld [smem:$0x3FFD];
	_ =	sdelay $0x3  }
0x96: {  	_ =	strace s3  }
0x97: {  	_ =	strace $0x8FFFFFFF  }
0x98: {  	s19 =	sld [smem:$0x3FDB];
	_ =	sdelay $0x1  }
0x99: {  	s4 =	simm.s32 $_scs_section_size  }
0x9a: {  	s5 =	simm.s32 $_size__tile_overlayer_lowered;
	s6 =	simm.s32 $_tile_overlayer_lowered  }
0x9b: {  	s22 =	simm.s32 $0x1BFF;
	s21 =	sshll.u32 s6, $0x1;
	s3 =	sadd.s32 s4, s19  }
0x9c: {  	s7 =	simm.s32 $0x0;
	s20 =	sshll.u32 s5, $0x1;
	s5 =	sadd.s32 s21, s3  }
0x9d: {  	[timem:s7], [sflag:s22] =	dma.local [hbm:s5], s20  }
0x9e: {  	_ =	swait.ge [sflag:s22], s20  }
0x9f: {  	s4 =	ssub.s32 $0x0, s20;
	[sflag:s22] =	ssyncset.done $0x0  }
0xa0: {  	[sflag:s22] =	ssyncadd.s32 s4;
	_ =	sdelay $0x1  }
0xa1: {  	s23 =	simm.s32 $0x1B8B  }
0xa2: {  	_ =	swait.ge [sflag:s23], $0x1  }
0xa3: {  	[sflag:s23] =	ssyncset.done $0x0  }
0xa4: {  	s25 =	simm.s32 $0x1B8E;
	s24 =	sld [smem:$0x3FFE];
	[sflag:s23] =	ssyncadd.s32 $0xFFFFFFFF  }
0xa5: {  	s26 =	simm.s32 $execute0_lowered;
	[smem:$0x3FD2] =	sst s25  }
0xa6: {  	s5 =	sshll.u32 s26, $0x1;
	_ =	strace $0x80000046;
	[dreg:$0x1] =	wrdreg $0xFFFFFFFF  }
0xa7: {  	s28 =	simm.s32 $_size_execute0_lowered;
	s3 =	sadd.s32 s3, s5;
	[dreg:$0x0] =	wrdreg $0x0  }
0xa8: {  	s5 =	sshll.u32 s28, $0x1;
	[dreg:$0x2] =	wrdreg s3  }
0xa9: {  	[dreg:$0x3] =	wrdreg s5  }
0xaa: {  	[dreg:$0x4] =	wrdreg $0xC0  }
0xab: {  	_ =	task [dreg:s7], $0x5FFFF  }
0xac: {  	[dreg:$0x1] =	wrdreg $0xFFFFFFFF  }
0xad: {  	[dreg:$0x0] =	wrdreg $0x60  }
0xae: {  	[dreg:$0x2] =	wrdreg s24  }
0xaf: {  	[dreg:$0x3] =	wrdreg s2  }
0xb0: {  	[dreg:$0x4] =	wrdreg $0x9  }
0xb1: {  	_ =	task.clear_ibuf [dreg:s7], $0x5FFFF;
	_ =	strace $0x90000046  }
0xb2: {  	s29 =	simm.s32 $0x9;
	_ =	strace $0x80000048  }
0xb3: {  	_ =	swait.ge [sflag:s29], $0x1  }
0xb4: {  	[sflag:s29] =	ssyncadd.s32 $0xFFFFFFFF  }
0xb5: {  	_ =	strace $0x90000048  }
0xb6: {  	_ =	sfence  }
0xb7: {  	s30 =	sld [smem:$0x0];
	_ =	sdelay $0x2  }
0xb8: {  	s31 =	sshll.u32 s1, $0xD;
	s1 =	sshrl.u32 s1, $0x2  }
0xb9: {  	s3 =	sand.u32 $0x4000, s31;
	s1 =	sadd.s32 s1, s30  }
0xba: {  	s0 =	sor.u32 s3, s0;
	s1 =	sshll.u32 s1, $0x11  }
0xbb: {  	s0 =	sor.u32 s1, s0  }
0xbc: {  	s0 =	sadd.s32 $0x8F2B, s0  }
0xbd: {  	[sflag:s0] =	ssyncadd.remote.s32 $0x1  }
0xbe: {  	_ =	sfence.sel $0xFFFF  }
0xbf: {  	[dreg:$0x0] =	wrdreg $0xFFFFFFFF;
	(pc) =	sbr.abs _section_cstart, $3  }
0xc0: {  	[dreg:$0x1] =	wrdreg $0xFFFFFFFF  }
0xc1: {  	_ =	task.clear_ibuf [dreg:s7], $0x2FFFF;
	_ =	strace $0x9FFFFFFF  }
0xc2: {  	(tm) =	ssettm $0x7FFFFFFF  }
0xc3: {  	_ =	shalt  }
tec
execute0_lowered:
.L_overlay_start_1:
0x0: {  	(tag) =	ssettag $0x1  }
0x1: {  	s0 =	rddreg [dreg:$0x0];
	s1 =	srdreg.scid  }
0x2: {  	s3 =	stileid.u32;
	s2 =	rddreg [dreg:$0x1];
	s4 =	simm.s32 $0x0  }
0x3: {  	s12 =	simm.s32 $0x5;
	s13 =	simm.s32 $0x80;
	s15 =	simm.s32 $0x40  }
0x4: {  	s18 =	simm.s32 $0x1;
	s19 =	simm.s32 $0x20;
	s28 =	simm.s32 $0x6  }
0x5: {  	s29 =	simm.s32 $0xD480;
	s14 =	simm.s32 $0xB40;
	s30 =	simm.s32 $0x17480  }
0x6: {  	s31 =	simm.s32 $0xBC0;
	s9 =	simm.s32 $0x19480;
	s10 =	simm.s32 $0x2  }
0x7: {  	s16 =	simm.s32 $0x10680;
	s17 =	simm.s32 $0x11F80;
	s20 =	simm.s32 $0x15180  }
0x8: {  	s21 =	simm.s32 $0x16A80;
	s22 =	simm.s32 $0x18380;
	s24 =	simm.s32 $0x0  }
0x9: {  	s1 =	sand.u32 $0x1, s1;
	s3 =	sshll.u32 s3, $0x1;
	[smem:$0x7FF] =	sst s4  }
0xa: {  	s5 =	sadd.s32 $0x800, s0;
	s3 =	sor.u32 s1, s3;
	s1 =	ssub.s32 $0x2, s1  }
0xb: {  	s6 =	sadd.s32 $0x64800, s0;
	s4 =	smul.u32 $0x19000, s3;
	s25 =	sshrl.u32 s1, $0x1  }
.Ltmp0:
0xc: {  	_ =	strace $0x80000047;
	s0 =	ssub.s32 s1, s25;
	(pc) =	sbr.rel .LBB2_1-.Ltmp0, $4  }
0xd: {  	s8 =	sshll.u32 s3, $0x9;
	s7 =	sshrl.u32 s4, $0x3;
	s0 =	smax.u32 s0, $0x1  }
0xe: {  	s3 =	simm.s32 $0x13880;
	s7 =	sadd.s32 s5, s7;
	[dreg:$0x5] =	wrdreg s0  }
0xf: {  	s1 =	simm.s32 $0x18480;
	[dreg:$0x3] =	wrdreg s7;
	s26 =	sadd.s32 $0xC8, s7  }
0x10: {  	s0 =	simm.s32 $0xC40;
	s7 =	simm.s32 $0xED80;
	[dreg:$0x4] =	wrdreg s26  }
.LBB2_13:
0x11: {  	s11 =	simm.s32 $0x3  }
0x12: {  	_ =	swait.ge [sflag:s11], $0xC800  }
0x13: {  	[sflag:s11] =	ssyncset.done $0x0  }
0x14: {  	s23 =	simm.s32 $0x4;
	[sflag:s11] =	ssyncadd.s32 $0xFFFF3800  }
0x15: {  	_ =	swait.ge [sflag:s23], $0xC800  }
0x16: {  	s24 =	rddreg [dreg:$0x6]  }
0x17: {  	s26 =	rddreg [dreg:$0x5];
	s24 =	sadd.s32 $0x1, s24  }
0x18: {  	p0 =	sne.s32 s24, s26  }
.Ltmp1:
0x19: {  	_ = 	snop;
	(pc) =	sbr.rel @!p0 .LBB2_14-.Ltmp1, $3  }
0x1a: {  	_ =	sdelay $0x1  }
0x1b: {  	[sflag:s23] =	ssyncset.done $0x0  }
0x1c: {  	[sflag:s23] =	ssyncadd.s32 $0xFFFF3800  }
.LBB2_1:
.Ltmp2:
0x1d: {  	[dreg:$0x6] =	wrdreg s24;
	(pc) =	sbr.rel .LBB2_2-.Ltmp2, $4  }
0x1e: {  	s11 =	simm.s32 $0x0;
	s23 =	rddreg [dreg:$0x3]  }
0x1f: {  	[tilespmem:s11], [sflag:$0x5] =	stream.linear.gather [hbm4b:s23+s11], $0x640, $0x38;
	[tilespmem:$0x19C80] =	vst v63  }
0x20: {  	s25 =	rddreg [dreg:$0x4];
	s26 =	simm.s32 $0x640;
	s23 =	simm.s32 $0x0  }
0x21: {  	[tilespmem:s26], [sflag:$0x6] =	stream.linear.gather [hbm4b:s25+s11], $0x640, $0x38;
	[tilespmem:$0x19C80] =	vst v63  }
.LBB2_8:
0x22: {  	s24 =	sadd.s32 $0x1, s23;
	p0 =	slt.u32 s23, $0x3F  }
0x23: {  	s23 =	smul.u32 @p0 $0x640, s24;
	_ =	sdelay $0x1  }
0x24: {  	_ =	swait.ge [sflag:s10], $0xC800;
	s25 =	sshll.u32 s25, $0x3;
	s23 =	sadd.s32 @p0 s4, s23  }
0x25: {  	[sflag:s10] =	ssyncset.done $0x0;
	s26 =	simm.s32 @p0 $0x0;
	s23 =	sshrl.u32 @p0 s23, $0x3  }
0x26: {  	s11 =	simm.s32 @p0 $0x640;
	[sflag:s10] =	ssyncadd.s32 $0xFFFF3800;
	s23 =	sadd.s32 @p0 s5, s23  }
0x27: {  	[tilespmem:s11], [sflag:$0x6] =	stream.linear.gather @p0 [hbm4b:s23+s26], $0x640, $0x38;
	[tilespmem:$0x19C80] =	vst v63  }
0x28: {  	s11 =	sadd.s32 s8, s25  }
0x29: {  	s26 =	smul.u32 $0xC80, s11  }
0x2a: {  	s11 =	smul.u32 $0x6400, s11;
	_ =	sdelay $0x1  }
0x2b: {  	s23 =	sadd.s32 s6, s26;
	s11 =	sshrl.u32 s11, $0x3  }
0x2c: {  	[hbm4b:s23+s19] =	stream.strided.scatter [tilespmem:s29], [sflag:$0x4], $0x1900, s13, s19, $0x38;
	[tilespmem:$0x19C80] =	vst v63  }
0x2d: {  	s11 =	sadd.s32 s6, s11  }
0x2e: {  	s25 =	sadd.s32 $0xC80, s11  }
0x2f: {  	[hbm4b:s25+s19] =	stream.strided.scatter [tilespmem:s7], [sflag:$0x4], $0x1900, s13, s19, $0x38;
	[tilespmem:$0x19C80] =	vst v63  }
0x30: {  	s26 =	sadd.s32 $0x1900, s11  }
0x31: {  	[hbm4b:s26+s19] =	stream.strided.scatter [tilespmem:s16], [sflag:$0x4], $0x1900, s13, s19, $0x38;
	[tilespmem:$0x19C80] =	vst v63  }
0x32: {  	s25 =	sadd.s32 $0x2580, s11  }
0x33: {  	[hbm4b:s25+s19] =	stream.strided.scatter [tilespmem:s17], [sflag:$0x4], $0x1900, s13, s19, $0x38;
	[tilespmem:$0x19C80] =	vst v63  }
0x34: {  	s26 =	sadd.s32 $0x3200, s11  }
0x35: {  	[hbm4b:s26+s19] =	stream.strided.scatter [tilespmem:s3], [sflag:$0x4], $0x1900, s13, s19, $0x38;
	[tilespmem:$0x19C80] =	vst v63  }
0x36: {  	s25 =	sadd.s32 $0x3E80, s11  }
0x37: {  	[hbm4b:s25+s19] =	stream.strided.scatter [tilespmem:s20], [sflag:$0x4], $0x1900, s13, s19, $0x38;
	[tilespmem:$0x19C80] =	vst v63  }
0x38: {  	s26 =	sadd.s32 $0x4B00, s11  }
0x39: {  	[hbm4b:s26+s19] =	stream.strided.scatter [tilespmem:s21], [sflag:$0x4], $0x1900, s13, s19, $0x38;
	[tilespmem:$0x19C80] =	vst v63  }
0x3a: {  	s11 =	sadd.s32 $0x5780, s11  }
0x3b: {  	[hbm4b:s11+s19] =	stream.strided.scatter [tilespmem:s22], [sflag:$0x4], $0x1900, s13, s19, $0x38;
	[tilespmem:$0x19C80] =	vst v63  }
.LBB2_12:
0x3c: {  	p0 =	sne.s32 s24, $0x41  }
.Ltmp3:
0x3d: {  	_ = 	snop;
	(pc) =	sbr.rel @!p0 .LBB2_13-.Ltmp3, $2  }
0x3e: {  	_ =	sdelay $0x2  }
0x3f: {  	s23 =	smov.u32 s24  }
.LBB2_2:
0x40: {  	p0 =	slt.u32 s23, $0x2  }
.Ltmp4:
0x41: {  	_ = 	snop;
	(pc) =	sbr.rel @p0 .LBB2_5-.Ltmp4, $2  }
0x42: {  	_ =	sdelay $0x2  }
0x43: {  	s24 =	sand.u32 $0x1, s23  }
0x44: {  	p0 =	seq.s32 s23, $0x40  }
.Ltmp5:
0x45: {  	_ = 	snop;
	(pc) =	sbr.rel @p0 .LBB2_8-.Ltmp5, $2  }
0x46: {  	_ =	sdelay $0x2  }
0x47: {  	s25 =	simm.s32 $0x3F  }
0x48: {  	p0 =	seq.s32 s24, $0x0;
	s25 =	simm.s32 $0x3  }
0x49: {  	s25 =	simm.s32 @!p0 $0x4  }
0x4a: {  	_ =	swait.ge [sflag:s25], $0xC800  }
0x4b: {  	[sflag:s25] =	ssyncset.done $0x0  }
0x4c: {  	[sflag:s25] =	ssyncadd.s32 $0xFFFF3800  }
.LBB2_5:
0x4d: {  	p0 =	seq.s32 s24, $0x0  }
.Ltmp6:
0x4e: {  	_ = 	snop;
	(pc) =	sbr.rel @p0 .LBB2_9-.Ltmp6, $1  }
0x4f: {  	_ =	sdelay $0x3  }
0x50: {  	_ =	swait.ge [sflag:s28], $0x640  }
0x51: {  	[sflag:s28] =	ssyncset.done $0x0  }
0x52: {  	s11 =	simm.s32 $0x640;
	[sflag:s28] =	ssyncadd.s32 $0xFFFFF9C0  }
0x53: {  	[tilespmem:s29], [sflag:$0x2] =	stream.indirect.gather [hbm4b:s2+s13], $0x20, s11, s13, $0xb8;
	[tilespmem:$0x19C80] =	vst v63  }
0x54: {  	s26 =	simm.s32 $0x6C0;
	s24 =	simm.s32 $0xE480  }
0x55: {  	[tilespmem:s24], [sflag:$0x2] =	stream.indirect.gather [hbm4b:s2+s13], $0x20, s26, s13, $0xb8;
	[tilespmem:$0x19C80] =	vst v63  }
0x56: {  	s25 =	simm.s32 $0x740;
	s26 =	simm.s32 $0xF480  }
0x57: {  	[tilespmem:s26], [sflag:$0x2] =	stream.indirect.gather [hbm4b:s2+s13], $0x20, s25, s13, $0xb8;
	[tilespmem:$0x19C80] =	vst v63  }
0x58: {  	s25 =	simm.s32 $0x7C0;
	s26 =	simm.s32 $0x10480  }
0x59: {  	[tilespmem:s26], [sflag:$0x2] =	stream.indirect.gather [hbm4b:s2+s13], $0x20, s25, s13, $0xb8;
	[tilespmem:$0x19C80] =	vst v63  }
0x5a: {  	s25 =	simm.s32 $0x840;
	s26 =	simm.s32 $0x11480  }
0x5b: {  	[tilespmem:s26], [sflag:$0x2] =	stream.indirect.gather [hbm4b:s2+s13], $0x20, s25, s13, $0xb8;
	[tilespmem:$0x19C80] =	vst v63  }
0x5c: {  	s25 =	simm.s32 $0x8C0;
	s26 =	simm.s32 $0x12480  }
0x5d: {  	[tilespmem:s26], [sflag:$0x2] =	stream.indirect.gather [hbm4b:s2+s13], $0x20, s25, s13, $0xb8;
	[tilespmem:$0x19C80] =	vst v63  }
0x5e: {  	s25 =	simm.s32 $0x940;
	s26 =	simm.s32 $0x13480  }
0x5f: {  	[tilespmem:s26], [sflag:$0x2] =	stream.indirect.gather [hbm4b:s2+s13], $0x20, s25, s13, $0xb8;
	[tilespmem:$0x19C80] =	vst v63  }
0x60: {  	s25 =	simm.s32 $0x9C0;
	s26 =	simm.s32 $0x14480  }
0x61: {  	[tilespmem:s26], [sflag:$0x2] =	stream.indirect.gather [hbm4b:s2+s13], $0x20, s25, s13, $0xb8;
	[tilespmem:$0x19C80] =	vst v63  }
0x62: {  	s25 =	simm.s32 $0xA40;
	s26 =	simm.s32 $0x15480  }
0x63: {  	[tilespmem:s26], [sflag:$0x2] =	stream.indirect.gather [hbm4b:s2+s13], $0x20, s25, s13, $0xb8;
	[tilespmem:$0x19C80] =	vst v63  }
0x64: {  	s25 =	simm.s32 $0xAC0;
	s26 =	simm.s32 $0x16480  }
0x65: {  	[tilespmem:s26], [sflag:$0x2] =	stream.indirect.gather [hbm4b:s2+s13], $0x20, s25, s13, $0xb8;
	[tilespmem:$0x19C80] =	vst v63  }
0x66: {  	_ = 	snop  }
0x67: {  	[tilespmem:s30], [sflag:$0x2] =	stream.indirect.gather [hbm4b:s2+s13], $0x20, s14, s13, $0xb8;
	[tilespmem:$0x19C80] =	vst v63  }
.Ltmp7:
0x68: {  	_ = 	snop;
	(pc) =	sbr.rel .LBB2_7-.Ltmp7, $4  }
0x69: {  	_ = 	snop  }
0x6a: {  	[tilespmem:s1], [sflag:$0x2] =	stream.indirect.gather [hbm4b:s2+s13], $0x20, s31, s13, $0xb8;
	[tilespmem:$0x19C80] =	vst v63  }
0x6b: {  	_ = 	snop  }
0x6c: {  	[tilespmem:s9], [sflag:$0x2] =	stream.indirect.gather [hbm4b:s2+s15], $0x20, s0, s15, $0xb8;
	[tilespmem:$0x19C80] =	vst v63  }
.LBB2_9:
0x6d: {  	_ =	swait.ge [sflag:s12], $0x640  }
0x6e: {  	[sflag:s12] =	ssyncset.done $0x0  }
0x6f: {  	s11 =	simm.s32 $0x0;
	s24 =	simm.s32 $0xC80;
	[sflag:s12] =	ssyncadd.s32 $0xFFFFF9C0  }
0x70: {  	[tilespmem:s24], [sflag:$0x1] =	stream.indirect.gather [hbm4b:s2+s13], $0x20, s11, s13, $0xb8;
	[tilespmem:$0x19C80] =	vst v63  }
0x71: {  	s24 =	simm.s32 $0x1C80  }
0x72: {  	[tilespmem:s24], [sflag:$0x1] =	stream.indirect.gather [hbm4b:s2+s13], $0x20, s13, s13, $0xb8;
	[tilespmem:$0x19C80] =	vst v63  }
0x73: {  	s25 =	simm.s32 $0x100;
	s26 =	simm.s32 $0x2C80  }
0x74: {  	[tilespmem:s26], [sflag:$0x1] =	stream.indirect.gather [hbm4b:s2+s13], $0x20, s25, s13, $0xb8;
	[tilespmem:$0x19C80] =	vst v63  }
0x75: {  	s25 =	simm.s32 $0x180;
	s26 =	simm.s32 $0x3C80  }
0x76: {  	[tilespmem:s26], [sflag:$0x1] =	stream.indirect.gather [hbm4b:s2+s13], $0x20, s25, s13, $0xb8;
	[tilespmem:$0x19C80] =	vst v63  }
0x77: {  	s25 =	simm.s32 $0x200;
	s26 =	simm.s32 $0x4C80  }
0x78: {  	[tilespmem:s26], [sflag:$0x1] =	stream.indirect.gather [hbm4b:s2+s13], $0x20, s25, s13, $0xb8;
	[tilespmem:$0x19C80] =	vst v63  }
0x79: {  	s25 =	simm.s32 $0x280;
	s26 =	simm.s32 $0x5C80  }
0x7a: {  	[tilespmem:s26], [sflag:$0x1] =	stream.indirect.gather [hbm4b:s2+s13], $0x20, s25, s13, $0xb8;
	[tilespmem:$0x19C80] =	vst v63  }
0x7b: {  	s25 =	simm.s32 $0x300;
	s26 =	simm.s32 $0x6C80  }
0x7c: {  	[tilespmem:s26], [sflag:$0x1] =	stream.indirect.gather [hbm4b:s2+s13], $0x20, s25, s13, $0xb8;
	[tilespmem:$0x19C80] =	vst v63  }
0x7d: {  	s25 =	simm.s32 $0x380;
	s26 =	simm.s32 $0x7C80  }
0x7e: {  	[tilespmem:s26], [sflag:$0x1] =	stream.indirect.gather [hbm4b:s2+s13], $0x20, s25, s13, $0xb8;
	[tilespmem:$0x19C80] =	vst v63  }
0x7f: {  	s25 =	simm.s32 $0x400;
	s26 =	simm.s32 $0x8C80  }
0x80: {  	[tilespmem:s26], [sflag:$0x1] =	stream.indirect.gather [hbm4b:s2+s13], $0x20, s25, s13, $0xb8;
	[tilespmem:$0x19C80] =	vst v63  }
0x81: {  	s25 =	simm.s32 $0x480;
	s26 =	simm.s32 $0x9C80  }
0x82: {  	[tilespmem:s26], [sflag:$0x1] =	stream.indirect.gather [hbm4b:s2+s13], $0x20, s25, s13, $0xb8;
	[tilespmem:$0x19C80] =	vst v63  }
0x83: {  	p0 =	seq.s32 s23, $0x0;
	s25 =	simm.s32 $0x500;
	s26 =	simm.s32 $0xAC80  }
0x84: {  	[tilespmem:s26], [sflag:$0x1] =	stream.indirect.gather [hbm4b:s2+s13], $0x20, s25, s13, $0xb8;
	[tilespmem:$0x19C80] =	vst v63  }
.Ltmp8:
0x85: {  	_ = 	snop;
	(pc) =	sbr.rel @p0 .LBB2_10-.Ltmp8, $4  }
0x86: {  	s25 =	simm.s32 $0x580;
	s26 =	simm.s32 $0xBC80  }
0x87: {  	[tilespmem:s26], [sflag:$0x1] =	stream.indirect.gather [hbm4b:s2+s13], $0x20, s25, s13, $0xb8;
	[tilespmem:$0x19C80] =	vst v63  }
0x88: {  	s25 =	simm.s32 $0x600;
	s26 =	simm.s32 $0xCC80  }
0x89: {  	[tilespmem:s26], [sflag:$0x1] =	stream.indirect.gather [hbm4b:s2+s15], $0x20, s25, s15, $0xb8;
	[tilespmem:$0x19C80] =	vst v63  }
.LBB2_7:
0x8a: {  	s25 =	sadd.s32 $0xFFFFFFFF, s23  }
0x8b: {  	s24 =	sand.u32 $0x80000001, s25  }
0x8c: {  	p0 =	sne.s32 s24, $0x1  }
.Ltmp9:
0x8d: {  	_ = 	snop;
	(pc) =	sbr.rel @!p0 .LBB2_8-.Ltmp9, $1  }
0x8e: {  	_ =	sdelay $0x3  }
0x8f: {  	s24 =	sadd.s32 $0x1, s23;
	p0 =	slt.u32 s23, $0x3F  }
0x90: {  	s11 =	smul.u32 @p0 $0x640, s24;
	_ =	sdelay $0x1  }
0x91: {  	_ =	swait.ge [sflag:s18], $0xC800;
	s11 =	sadd.s32 @p0 s4, s11  }
0x92: {  	[sflag:s18] =	ssyncset.done $0x0;
	s11 =	sshrl.u32 @p0 s11, $0x3  }
0x93: {  	s23 =	simm.s32 @p0 $0x0;
	[sflag:s18] =	ssyncadd.s32 $0xFFFF3800;
	s11 =	sadd.s32 @p0 s5, s11  }
0x94: {  	[tilespmem:s23], [sflag:$0x5] =	stream.linear.gather @p0 [hbm4b:s11+s23], $0x640, $0x38;
	[tilespmem:$0x19C80] =	vst v63  }
0x95: {  	s23 =	sshll.u32 s25, $0x3  }
0x96: {  	s11 =	sadd.s32 s8, s23  }
0x97: {  	s25 =	smul.u32 $0xC80, s11  }
0x98: {  	s11 =	smul.u32 $0x6400, s11;
	_ =	sdelay $0x1  }
0x99: {  	s26 =	simm.s32 $0xC80;
	s23 =	sadd.s32 s6, s25;
	s11 =	sshrl.u32 s11, $0x3  }
0x9a: {  	[hbm4b:s23+s19] =	stream.strided.scatter [tilespmem:s26], [sflag:$0x3], $0x1900, s13, s19, $0x38;
	[tilespmem:$0x19C80] =	vst v63  }
0x9b: {  	s11 =	sadd.s32 s6, s11  }
0x9c: {  	s26 =	simm.s32 $0x2580;
	s25 =	sadd.s32 $0xC80, s11  }
0x9d: {  	[hbm4b:s25+s19] =	stream.strided.scatter [tilespmem:s26], [sflag:$0x3], $0x1900, s13, s19, $0x38;
	[tilespmem:$0x19C80] =	vst v63  }
0x9e: {  	s25 =	sadd.s32 $0x1900, s11;
	s26 =	simm.s32 $0x3E80  }
0x9f: {  	[hbm4b:s25+s19] =	stream.strided.scatter [tilespmem:s26], [sflag:$0x3], $0x1900, s13, s19, $0x38;
	[tilespmem:$0x19C80] =	vst v63  }
0xa0: {  	s25 =	sadd.s32 $0x2580, s11;
	s26 =	simm.s32 $0x5780  }
0xa1: {  	[hbm4b:s25+s19] =	stream.strided.scatter [tilespmem:s26], [sflag:$0x3], $0x1900, s13, s19, $0x38;
	[tilespmem:$0x19C80] =	vst v63  }
0xa2: {  	s25 =	sadd.s32 $0x3200, s11;
	s26 =	simm.s32 $0x7080  }
0xa3: {  	[hbm4b:s25+s19] =	stream.strided.scatter [tilespmem:s26], [sflag:$0x3], $0x1900, s13, s19, $0x38;
	[tilespmem:$0x19C80] =	vst v63  }
0xa4: {  	s25 =	sadd.s32 $0x3E80, s11;
	s26 =	simm.s32 $0x8980  }
0xa5: {  	[hbm4b:s25+s19] =	stream.strided.scatter [tilespmem:s26], [sflag:$0x3], $0x1900, s13, s19, $0x38;
	[tilespmem:$0x19C80] =	vst v63  }
.Ltmp10:
0xa6: {  	_ = 	snop;
	(pc) =	sbr.rel .LBB2_12-.Ltmp10, $4  }
0xa7: {  	s25 =	sadd.s32 $0x4B00, s11;
	s26 =	simm.s32 $0xA280  }
0xa8: {  	[hbm4b:s25+s19] =	stream.strided.scatter [tilespmem:s26], [sflag:$0x3], $0x1900, s13, s19, $0x38;
	[tilespmem:$0x19C80] =	vst v63  }
0xa9: {  	s11 =	sadd.s32 $0x5780, s11;
	s26 =	simm.s32 $0xBB80  }
0xaa: {  	[hbm4b:s11+s19] =	stream.strided.scatter [tilespmem:s26], [sflag:$0x3], $0x1900, s13, s19, $0x38;
	[tilespmem:$0x19C80] =	vst v63  }
.LBB2_10:
.Ltmp11:
0xab: {  	(pc) =	sbr.rel .LBB2_12-.Ltmp11, $2  }
0xac: {  	_ =	sdelay $0x2  }
0xad: {  	s24 =	simm.s32 $0x1  }
.LBB2_14:
0xae: {  	_ =	sfence.sel $0x180000  }
0xaf: {  	[bflag:$0x0] =	sbarrier.arrive $0xFFFF  }
0xb0: {  	_ =	strace $0x90000047  }
0xb1: {  	s0 =	stileid.u32;
	[bflag:$0x2] =	sbarrier.arrive $0xFFFF  }
0xb2: {  	p0 =	sne.s32 s0, $0x0;
	s0 =	rddreg [dreg:$0x2]  }
0xb3: {  	s0 =	sadd.s32 @!p0 $0x100000, s0  }
0xb4: {  	[sflag:s0] =	ssyncadd.tile.s32 @!p0 $0x1;
	_ =	shalt  }
.Lfunc_end2:
_tile_overlayer_lowered:
.L_overlay_start_2:
0xb5: {  	(tag) =	ssettag $0x2  }
0xb6: {  	s0 =	rddreg [dreg:$0x0];
	s2 =	stileid.u32  }
0xb7: {  	s1 =	rddreg [dreg:$0x1];
	p0 =	sne.s32 s2, $0x0  }
0xb8: {  	s3 =	rddreg [dreg:$0x2];
	[bflag:$0x3] =	sbarrier.arrive $0xFFFF;
	s2 =	simm.s32 @!p0 $0x1C07  }
0xb9: {  	[timem:s3], [sflag:s2] =	dma.local @!p0 [hbm:s0], s1  }
0xba: {  	s0 =	simm.s32 @!p0 $0x7  }
0xbb: {  	_ =	swait.ge @!p0 [sflag:s0], s1  }
0xbc: {  	s1 =	ssub.s32 @!p0 $0x0, s1;
	[sflag:s0] =	ssyncset.done @!p0 $0x0  }
0xbd: {  	[sflag:s0] =	ssyncadd.s32 @!p0 s1  }
0xbe: {  	[bflag:$0x3] =	sbarrier.arrive $0xFFFF  }
0xbf: {  	_ =	shalt  }

// kernel: sparse-core-data-format-call.cloned.1.call-start
scs
called_computation_lowered:
.L_overlay_start_0:
0x0: {  	s2 =	sld [smem:$0x3FD9]  }
0x1: {  	s3 =	sld [smem:$0x3FFE];
	_ =	sdelay $0x1  }
0x2: {  	s1 =	srdreg.scid  }
0x3: {  	s0 =	sand.u32 $0x1, s1  }
0x4: {  	s18 =	sshll.u32 s0, $0xA;
	s2 =	sadd.s32 s3, s2  }
0x5: {  	s2 =	sadd.s32 s2, s18  }
0x6: {  	[smem:$0x3FC6] =	sst s2  }
0x7: {  	_ = 	snop  }
0x8: {  	s2 =	sld [smem:$0x3FD0];
	(tm) =	ssettm $0x1  }
0x9: {  	s19 =	sld [smem:$0x3FFB];
	_ =	sdelay $0x3  }
0xa: {  	_ =	strace s19  }
0xb: {  	s3 =	sld [smem:$0x3FFC];
	_ =	sdelay $0x3  }
0xc: {  	_ =	strace s3  }
0xd: {  	s3 =	sld [smem:$0x3FFD];
	_ =	sdelay $0x3  }
0xe: {  	_ =	strace s3  }
0xf: {  	_ =	strace $0x8FFFFFFF  }
0x10: {  	s20 =	sld [smem:$0x3FDB];
	_ =	sdelay $0x1  }
0x11: {  	s4 =	simm.s32 $_scs_section_size  }
0x12: {  	s5 =	simm.s32 $_size__tile_overlayer_lowered;
	s6 =	simm.s32 $_tile_overlayer_lowered  }
0x13: {  	s23 =	simm.s32 $0x1BFF;
	s22 =	sshll.u32 s6, $0x1;
	s3 =	sadd.s32 s4, s20  }
0x14: {  	s7 =	simm.s32 $0x0;
	s21 =	sshll.u32 s5, $0x1;
	s5 =	sadd.s32 s22, s3  }
0x15: {  	[timem:s7], [sflag:s23] =	dma.local [hbm:s5], s21  }
0x16: {  	_ =	swait.ge [sflag:s23], s21  }
0x17: {  	s4 =	ssub.s32 $0x0, s21;
	[sflag:s23] =	ssyncset.done $0x0  }
0x18: {  	[sflag:s23] =	ssyncadd.s32 s4;
	_ =	sdelay $0x1  }
0x19: {  	s24 =	simm.s32 $0x1B8B  }
0x1a: {  	_ =	swait.ge [sflag:s24], $0x1  }
0x1b: {  	[sflag:s24] =	ssyncset.done $0x0  }
0x1c: {  	s26 =	simm.s32 $0x1B8E;
	s25 =	sld [smem:$0x3FFE];
	[sflag:s24] =	ssyncadd.s32 $0xFFFFFFFF  }
0x1d: {  	s27 =	simm.s32 $execute0_lowered;
	[smem:$0x3FD2] =	sst s26  }
0x1e: {  	s5 =	sshll.u32 s27, $0x1;
	_ =	strace $0x80000049;
	[dreg:$0x1] =	wrdreg $0xFFFFFFFF  }
0x1f: {  	s28 =	simm.s32 $_size_execute0_lowered;
	s3 =	sadd.s32 s3, s5;
	[dreg:$0x0] =	wrdreg $0x0  }
0x20: {  	s5 =	sshll.u32 s28, $0x1;
	[dreg:$0x2] =	wrdreg s3  }
0x21: {  	[dreg:$0x3] =	wrdreg s5  }
0x22: {  	[dreg:$0x4] =	wrdreg $0xC0  }
0x23: {  	_ =	task [dreg:s7], $0x5FFFF  }
0x24: {  	[dreg:$0x1] =	wrdreg $0xFFFFFFFF  }
0x25: {  	[dreg:$0x0] =	wrdreg $0x60  }
0x26: {  	[dreg:$0x2] =	wrdreg s25  }
0x27: {  	[dreg:$0x3] =	wrdreg s2  }
0x28: {  	[dreg:$0x4] =	wrdreg $0x9  }
0x29: {  	_ =	task.clear_ibuf [dreg:s7], $0x5FFFF;
	_ =	strace $0x90000049  }
0x2a: {  	s29 =	simm.s32 $0x9;
	_ =	strace $0x8000004B  }
0x2b: {  	_ =	swait.ge [sflag:s29], $0x1  }
0x2c: {  	[sflag:s29] =	ssyncadd.s32 $0xFFFFFFFF  }
0x2d: {  	_ =	strace $0x9000004B  }
0x2e: {  	_ =	sfence  }
0x2f: {  	s30 =	sld [smem:$0x0];
	_ =	sdelay $0x2  }
0x30: {  	s31 =	sshll.u32 s1, $0xD;
	s1 =	sshrl.u32 s1, $0x2  }
0x31: {  	s3 =	sand.u32 $0x4000, s31;
	s1 =	sadd.s32 s1, s30  }
0x32: {  	s0 =	sor.u32 s3, s0;
	s1 =	sshll.u32 s1, $0x11  }
0x33: {  	s0 =	sor.u32 s1, s0  }
0x34: {  	s0 =	sadd.s32 $0x8F2B, s0  }
0x35: {  	[sflag:s0] =	ssyncadd.remote.s32 $0x1  }
0x36: {  	_ =	sfence.sel $0xFFFF  }
0x37: {  	[dreg:$0x0] =	wrdreg $0xFFFFFFFF;
	(pc) =	sbr.abs _section_cstart, $3  }
0x38: {  	[dreg:$0x1] =	wrdreg $0xFFFFFFFF  }
0x39: {  	_ =	task.clear_ibuf [dreg:s7], $0x2FFFF;
	_ =	strace $0x9FFFFFFF  }
0x3a: {  	(tm) =	ssettm $0x7FFFFFFF  }
0x3b: {  	_ =	shalt  }
tec
execute0_lowered:
.L_overlay_start_1:
0x0: {  	(tag) =	ssettag $0x1  }
0x1: {  	s0 =	srdreg.scid  }
0x2: {  	s1 =	sshll.u32 s0, $0x4  }
0x3: {  	s0 =	stileid.u32;
	s1 =	sand.u32 $0x10, s1  }
0x4: {  	s1 =	sor.u32 s0, s1  }
0x5: {  	s6 =	rddreg [dreg:$0x0];
	s4 =	simm.s32 $0x1;
	s2 =	sshll.u32 s1, $0x7  }
0x6: {  	s7 =	simm.s32 $0x2;
	s12 =	simm.s32 $0x0;
	s1 =	ssub.s32 $0x4000, s2  }
0x7: {  	s8 =	simm.s32 $0x20000;
	s13 =	simm.s32 $0x0;
	s3 =	sand.u32 $0xF80, s1  }
0x8: {  	s9 =	simm.s32 $0x0;
	s5 =	sshrl.u32 s1, $0xC;
	p0 =	sne.s32 s3, $0x0  }
.Ltmp0:
0x9: {  	s1 =	rddreg [dreg:$0x2];
	s4 =	simm.s32 @!p0 $0x0;
	(pc) =	sbr.rel .LBB1_1-.Ltmp0, $4  }
0xa: {  	s11 =	simm.s32 $0x0;
	s3 =	rddreg [dreg:$0x1];
	s5 =	sadd.s32 s4, s5  }
0xb: {  	_ =	strace $0x8000004A;
	s4 =	simm.s32 $0x1;
	s5 =	smul.u32 $0xC8, s5  }
0xc: {  	s6 =	sadd.s32 $0x64800, s6;
	s10 =	smov.u32 s2;
	[sflag:s4] =	ssyncpa.u1 $0x0  }
0xd: {  	p0 =	por $0x0, $0x0;
	[sflag:s7] =	ssyncpa.u1 $0x0;
	s7 =	sor.u32 $0x1, s5  }
.LBB1_4:
0xe: {  	s16 =	sshll.u32 s13, $0x3;
	s17 =	sand.u32 $0x78, s13  }
0xf: {  	s30 =	sand.u32 $0xF800, s13;
	s12 =	sshll.u32 s12, $0x10;
	s16 =	sand.u32 $0x3C00, s16  }
0x10: {  	s31 =	sand.u32 $0x7, s13;
	s16 =	sor.u32 s17, s16;
	s17 =	sadd.s32 s3, s30  }
0x11: {  	s13 =	sshll.u32 s31, $0x12;
	s16 =	sshrl.u32 s16, $0x3;
	s12 =	sadd.s32 s12, s17  }
0x12: {  	[tilespmem:s15+$0x0 ss:$0x81] =	vst.msk $0xffff, v0;
	s13 =	sor.u32 $0x400, s13;
	s12 =	sadd.s32 s16, s12  }
0x13: {  	[hbm4b:s12+s13] =	stream.strided.scatter [tilespmem:s14], [sflag:$0x2], $0x1000, s8, s13, $0x20;
	[tilespmem:$0x4040] =	vst v63  }
.LBB1_5:
0x14: {  	s14 =	sadd.s32 $0x1, s9  }
0x15: {  	s12 =	sadd.s32 $0x1000, s10;
	s16 =	smov.u32 s10;
	p2 =	sgt.s32 s14, $0xC7  }
0x16: {  	s16 =	smov.u32 @p2 s12  }
0x17: {  	s14 =	simm.s32 @p2 $0x0;
	p2 =	sgt.s32 s16, $0x3FFF  }
0x18: {  	s16 =	smov.u32 @p2 s2;
	p2 =	sne.s32 s11, s7  }
.Ltmp1:
0x19: {  	p1 =	slt.u32 s11, $0x2;
	(pc) =	sbr.rel @!p2 .LBB1_6-.Ltmp1, $4  }
0x1a: {  	s15 =	simm.s32 @!p1 $0x2  }
0x1b: {  	s13 =	smov.u32 s10;
	p0 =	por !p0, !p0;
	_ =	swait.ge @!p1 [sflag:s15], $0x1000  }
0x1c: {  	s12 =	smov.u32 s9;
	[sflag:s15] =	ssyncset.done @!p1 $0x0;
	s9 =	smov.u32 s14  }
0x1d: {  	s11 =	sadd.s32 $0x1, s11;
	[sflag:s15] =	ssyncadd.s32 @!p1 $0xFFFFF000;
	s10 =	smov.u32 s16  }
.LBB1_1:
0x1e: {  	p1 =	sge.u32 s11, s5  }
0x1f: {  	s14 =	sand.u32 @!p1 $0x1FFFFFF, s9  }
0x20: {  	s15 =	smulhi.u32 @!p1 $0x147AE15, s14;
	_ =	sdelay $0x1  }
0x21: {  	s15 =	smul.u32 @!p1 $0xC8, s15  }
0x22: {  	s16 =	sxor.u32 @!p1 $0xFFFFFFFF, s11;
	s17 =	smul.u32 @!p1 $0xC80, s10  }
0x23: {  	s31 =	sadd.s32 $0xFFFFFFFF, s11;
	s16 =	sshll.u32 @!p1 s16, $0xC;
	s14 =	ssub.s32 @!p1 s14, s15  }
0x24: {  	s15 =	sand.u32 @!p1 $0x1000, s16;
	s16 =	sadd.s32 @!p1 s6, s17;
	s14 =	sshll.u32 @!p1 s14, $0x4  }
0x25: {  	s17 =	simm.s32 @!p1 $0x6400;
	s14 =	sadd.s32 @!p1 s14, s16;
	s16 =	simm.s32 @!p1 $0x20  }
0x26: {  	[tilespmem:s15], [sflag:$0x1] =	stream.strided.gather @!p1 [hbm4b:s14+s16], $0x1000, s17, s16, $0x38;
	[tilespmem:$0x4040] =	vst v63  }
0x27: {  	p1 =	sge.u32 s31, s5  }
.Ltmp2:
0x28: {  	_ = 	snop;
	(pc) =	sbr.rel @p1 .LBB1_5-.Ltmp2, $1  }
0x29: {  	_ =	sdelay $0x3  }
0x2a: {  	s14 =	simm.s32 $0x1  }
0x2b: {  	_ =	swait.ge [sflag:s4], $0x1000;
	s14 =	simm.s32 @!p0 $0x0  }
0x2c: {  	[sflag:s4] =	ssyncset.done $0x0;
	s15 =	sshll.u32 s14, $0xC  }
0x2d: {  	[sflag:s4] =	ssyncadd.s32 $0xFFFFF000;
	s18 =	sor.u32 $0x10, s15  }
0x2e: {  	s14 =	smul.u32 $0x4080, s14;
	v1 =	vld [tilespmem:s18+$0x0]  }
0x2f: {  	s30 =	sand.u32 $0x1, s11;
	v0 =	vld [tilespmem:s18+$0xFFFFFFF0]  }
0x30: {  	s15 =	smul.u32 $0x4080, s30;
	s14 =	sshrl.u32 s14, $0x2  }
0x31: {  	s16 =	sor.u32 $0x2000, s14  }
0x32: {  	s31 =	sshrl.u32 s15, $0x2;
	s15 =	sadd.s32 $0x0, s16  }
0x33: {  	s17 =	simm.s32 $0x4;
	s18 =	sadd.s32 $0x20, s18;
	s14 =	sor.u32 $0x2000, s31;
	[tilespmem:s15+$0x810 ss:$0x81] =	vst.msk $0xffff, v1  }
.LBB1_3:
0x34: {  	v1 =	vld [tilespmem:s18+$0x0];
	p1 =	sne.s32 s17, $0x1FC;
	[tilespmem:s15+$0x0 ss:$0x81] =	vst.msk $0xffff, v0;
	s15 =	smov.u32 s17;
	s17 =	sadd.s32 $0x4, s17  }
.Ltmp3:
0x35: {  	v0 =	vld [tilespmem:s18+$0xFFFFFFF0];
	(pc) =	sbr.rel @p1 .LBB1_3-.Ltmp3, $4  }
0x36: {  	_ = 	snop  }
0x37: {  	s15 =	sshra.s32 s15, $0x2  }
0x38: {  	s15 =	sadd.s32 s15, s16  }
0x39: {  	s18 =	sadd.s32 $0x20, s18;
	[tilespmem:s15+$0x810 ss:$0x81] =	vst.msk $0xffff, v1  }
.Ltmp4:
0x3a: {  	_ = 	snop;
	(pc) =	sbr.rel .LBB1_4-.Ltmp4, $1  }
0x3b: {  	_ =	sdelay $0x3  }
.LBB1_6:
0x3c: {  	_ =	sfence.sel $0x180000  }
0x3d: {  	s2 =	simm.s32 $0x1;
	[bflag:$0x0] =	sbarrier.arrive $0xFFFF  }
0x3e: {  	s31 =	simm.s32 $0x2;
	[sflag:s2] =	ssyncpa.u1 $0x1  }
0x3f: {  	[sflag:s31] =	ssyncpa.u1 $0x1  }
0x40: {  	p0 =	sne.s32 s0, $0x0;
	_ =	strace $0x9000004A  }
0x41: {  	s0 =	sadd.s32 @!p0 $0x100000, s1;
	[bflag:$0x2] =	sbarrier.arrive $0xFFFF  }
0x42: {  	[sflag:s0] =	ssyncadd.tile.s32 @!p0 $0x1;
	_ =	shalt  }
.Lfunc_end1:
_tile_overlayer_lowered:
.L_overlay_start_2:
0x43: {  	(tag) =	ssettag $0x2  }
0x44: {  	s0 =	rddreg [dreg:$0x0];
	s2 =	stileid.u32  }
0x45: {  	s1 =	rddreg [dreg:$0x1];
	p0 =	sne.s32 s2, $0x0  }
0x46: {  	s3 =	rddreg [dreg:$0x2];
	[bflag:$0x3] =	sbarrier.arrive $0xFFFF;
	s2 =	simm.s32 @!p0 $0x1C01  }
0x47: {  	[timem:s3], [sflag:s2] =	dma.local @!p0 [hbm:s0], s1  }
0x48: {  	s0 =	simm.s32 @!p0 $0x1  }
0x49: {  	_ =	swait.ge @!p0 [sflag:s0], s1  }
0x4a: {  	s1 =	ssub.s32 @!p0 $0x0, s1;
	[sflag:s0] =	ssyncset.done @!p0 $0x0  }
0x4b: {  	[sflag:s0] =	ssyncadd.s32 @!p0 s1  }
0x4c: {  	[bflag:$0x3] =	sbarrier.arrive $0xFFFF  }
0x4d: {  	_ =	shalt  }

</sc_bundles>
